<compile_context>
chip_gen: v7x
topology: tpu7x:2x2x1
jax: 0.10.2.dev20260603
libtpu: 0.0.44.dev20260713+nightly
codegen_flags: <defaults>
</compile_context>

<pallas_src>
import functools

import numpy as np
import jax
import jax.numpy as jnp
from jax import lax
from jax.experimental import pallas as pl
from jax.experimental.pallas import tpu as pltpu
from jax.experimental.pallas import tpu_sc as plsc

B = 16384
D = 32
NC = 2
NS = 16
NW = NC * NS
BPW = B // NW
CHUNK = 128
NCHUNK = BPW // CHUNK


@functools.partial(
    pl.kernel,
    out_type=jax.ShapeDtypeStruct((B,), jnp.float32),
    mesh=plsc.VectorSubcoreMesh(core_axis_name="c", subcore_axis_name="s"),
    compiler_params=pltpu.CompilerParams(use_tc_tiling_on_sc=False),
    scratch_types=[
        pltpu.VMEM((NCHUNK, CHUNK), jnp.int32),
        pltpu.VMEM((NCHUNK, CHUNK), jnp.int32),
        pltpu.VMEM((BPW, D), jnp.float32),
        pltpu.VMEM((BPW, D), jnp.float32),
        pltpu.VMEM((BPW,), jnp.float32),
        pltpu.VMEM((BPW,), jnp.float32),
        pltpu.VMEM((16,), jnp.float32),
        pltpu.VMEM((BPW,), jnp.float32),
        pltpu.SemaphoreType.DMA,
    ],
)
def _mf_sc(uid_hbm, iid_hbm, uemb_hbm, iemb_hbm, ub_hbm, ib_hbm, gb_hbm,
           out_hbm, uid_v, iid_v, urows, irows, ubr, ibr, gbv, outv, sem):
    wid = lax.axis_index("s") * NC + lax.axis_index("c")
    base = wid * BPW

    for j in range(NCHUNK):
        row = wid * NCHUNK + j
        pltpu.sync_copy(uid_hbm.at[row], uid_v.at[j])
        pltpu.sync_copy(iid_hbm.at[row], iid_v.at[j])
    pltpu.sync_copy(gb_hbm, gbv)

    copies = []
    for j in range(NCHUNK):
        sl = pl.ds(j * CHUNK, CHUNK)
        copies.append(pltpu.async_copy(uemb_hbm.at[uid_v.at[j]], urows.at[sl], sem))
        copies.append(pltpu.async_copy(iemb_hbm.at[iid_v.at[j]], irows.at[sl], sem))
        copies.append(pltpu.async_copy(ub_hbm.at[0].at[uid_v.at[j]], ubr.at[sl], sem))
        copies.append(pltpu.async_copy(ib_hbm.at[0].at[iid_v.at[j]], ibr.at[sl], sem))
    for c in copies:
        c.wait()

    gb = gbv[...]

    def take16(v, idx):
        return lax.gather(
            v, idx[:, None],
            lax.GatherDimensionNumbers(
                offset_dims=(), collapsed_slice_dims=(0,), start_index_map=(0,)),
            slice_sizes=(1,),
            mode=lax.GatherScatterMode.PROMISE_IN_BOUNDS)

    lane = lax.iota(jnp.int32, 16)
    perms = [lane ^ k for k in (1, 2, 4, 8)]

    def body(blk, carry):
        base16 = blk * 16
        acc = jnp.zeros((16,), jnp.float32)
        for r in range(16):
            row = base16 + r
            u0 = urows[row, pl.ds(0, 16)]
            u1 = urows[row, pl.ds(16, 16)]
            i0 = irows[row, pl.ds(0, 16)]
            i1 = irows[row, pl.ds(16, 16)]
            v = u0 * i0 + u1 * i1
            for p in perms:
                v = v + take16(v, p)
            acc = jnp.where(lane == r, v, acc)
        bsl = pl.ds(base16, 16)
        outv[bsl] = acc + ubr[bsl] + ibr[bsl] + gb
        return carry

    lax.fori_loop(0, BPW // 16, body, 0)
    pltpu.sync_copy(outv, out_hbm.at[pl.ds(base, BPW)])


def kernel(user_id, item_id, user_emb, item_emb, user_bias, item_bias, global_bias):
    uid = user_id.astype(jnp.int32).reshape(NW * NCHUNK, CHUNK)
    iid = item_id.astype(jnp.int32).reshape(NW * NCHUNK, CHUNK)
    gb = jnp.broadcast_to(global_bias.astype(jnp.float32), (16,))
    return _mf_sc(uid, iid, user_emb, item_emb, user_bias.T, item_bias.T, gb)

# --- scband reference (transcript-rebuilt; emitter-appended) ---
"""Pipeline reference for scband-mf-model-5729486373486 (READ-ONLY COPY).

The authoritative reference and input builder live on the scoring server;
editing this copy changes nothing except your own understanding.
"""

import jax, jax.numpy as jnp
import numpy as np

B = 16384
NU = 1000000
NI = 1000000
D = 32

def setup_inputs(seed: int = 0) -> dict:
    key = jax.random.key(seed)
    ks = jax.random.split(key, 6)
    user_id = jax.random.randint(ks[0], (B,), 0, NU).astype(jnp.int64)
    item_id = jax.random.randint(ks[1], (B,), 0, NI).astype(jnp.int64)
    user_emb = (jax.random.normal(ks[2], (NU + 1, D), dtype=jnp.float32) * 0.01).at[0].set(0.0)
    item_emb = (jax.random.normal(ks[3], (NI + 1, D), dtype=jnp.float32) * 0.01).at[0].set(0.0)
    user_bias = jnp.zeros((NU + 1, 1), dtype=jnp.float32)
    item_bias = jnp.zeros((NI + 1, 1), dtype=jnp.float32)
    global_bias = jnp.zeros((1,), dtype=jnp.float32)
    return {
        "user_id": user_id,
        "item_id": item_id,
        "user_emb": user_emb,
        "item_emb": item_emb,
        "user_bias": user_bias,
        "item_bias": item_bias,
        "global_bias": global_bias,
    }

def reference(user_id, item_id, user_emb, item_emb, user_bias, item_bias, global_bias):
    u = jnp.take(user_emb, user_id, axis=0)          # [B, D]
    i = jnp.take(item_emb, item_id, axis=0)          # [B, D]
    dot = jnp.sum(u * i, axis=-1)                    # [B]
    ub = jnp.take(user_bias, user_id, axis=0).squeeze(-1)  # [B]
    ib = jnp.take(item_bias, item_id, axis=0).squeeze(-1)  # [B]
    return dot + ub + ib + global_bias               # [B] via broadcast of [1]

if __name__ == "__main__":
    import jax
    _d = setup_inputs()
    print(jax.jit(kernel)(*tuple(_d.values())))

</pallas_src>

<mosaic_0001>
#map = affine_map<(d0, d1) -> (0, 0)>
#map1 = affine_map<(d0, d1) -> (0)>
module attributes {stable_mosaic.version = 14 : i64} {
  func.func @_mf_sc(%arg0: i32, %arg1: i32, %arg2: memref<128x128xi32, #tpu.memory_space<hbm>>, %arg3: memref<128x128xi32, #tpu.memory_space<hbm>>, %arg4: memref<1000001x32xf32, #tpu.memory_space<hbm>>, %arg5: memref<1000001x32xf32, #tpu.memory_space<hbm>>, %arg6: memref<1x1000001xf32, #tpu.memory_space<hbm>>, %arg7: memref<1x1000001xf32, #tpu.memory_space<hbm>>, %arg8: memref<16xf32, #tpu.memory_space<hbm>>, %arg9: memref<16384xf32, #tpu.memory_space<hbm>>, %arg10: memref<4x128xi32, #tpu.memory_space<vmem>>, %arg11: memref<4x128xi32, #tpu.memory_space<vmem>>, %arg12: memref<512x32xf32, #tpu.memory_space<vmem>>, %arg13: memref<512x32xf32, #tpu.memory_space<vmem>>, %arg14: memref<512xf32, #tpu.memory_space<vmem>>, %arg15: memref<512xf32, #tpu.memory_space<vmem>>, %arg16: memref<16xf32, #tpu.memory_space<vmem>>, %arg17: memref<512xf32, #tpu.memory_space<vmem>>, %arg18: memref<!tpu.dma_semaphore, #tpu.memory_space<semaphore_mem>>) attributes {dimension_semantics = [#tpu.dimension_semantics<core_parallel>, #tpu.dimension_semantics<subcore_parallel>], iteration_bounds = array<i64: 2, 16>, scalar_prefetch = 0 : i64, scratch_operands = 9 : i64, tpu.core_type = #tpu.core_type<sc_vector_subcore>, window_params = [{transform_indices = #map}, {transform_indices = #map}, {transform_indices = #map}, {transform_indices = #map}, {transform_indices = #map}, {transform_indices = #map}, {transform_indices = #map1}, {transform_indices = #map1}]} {
    %mul3A = arith.constant 2 : i32
    %mul3A_0 = arith.muli %arg1, %mul3A : i32
    %add3A = arith.addi %mul3A_0, %arg0 : i32
    %mul3A_1 = arith.constant 512 : i32
    %mul3A_2 = arith.muli %add3A, %mul3A_1 : i32
    %mul3A_3 = arith.constant 4 : i32
    %mul3A_4 = arith.muli %add3A, %mul3A_3 : i32
    %add3A_5 = arith.constant 0 : i32
    %add3A_6 = arith.addi %mul3A_4, %add3A_5 : i32
    %run_scoped3A = arith.constant 0 : i32
    "tpu.region"() ({
      %run_scoped3A_394 = tpu.sem_alloc : memref<!tpu.dma_semaphore, #tpu.memory_space<semaphore_mem>>
      %dma_start3A_395 = arith.constant 0 : i32
      %dma_start3A_396 = tpu.memref_slice %arg10[%run_scoped3A, %dma_start3A_395] : memref<4x128xi32, #tpu.memory_space<vmem>> -> memref<1x128xi32, #tpu.memory_space<vmem>>
      %dma_start3A_397 = tpu.memref_squeeze %dma_start3A_396 : memref<1x128xi32, #tpu.memory_space<vmem>> -> memref<128xi32, #tpu.memory_space<vmem>>
      %dma_start3A_398 = arith.constant 0 : i32
      %dma_start3A_399 = tpu.memref_slice %arg2[%add3A_6, %dma_start3A_398] : memref<128x128xi32, #tpu.memory_space<hbm>> -> memref<1x128xi32, #tpu.memory_space<hbm>>
      %dma_start3A_400 = tpu.memref_squeeze %dma_start3A_399 : memref<1x128xi32, #tpu.memory_space<hbm>> -> memref<128xi32, #tpu.memory_space<hbm>>
      %dma_start3A_401 = arith.constant 0 : i32
      %dma_start3A_402 = tpu.memref_slice %arg10[%run_scoped3A, %dma_start3A_401] : memref<4x128xi32, #tpu.memory_space<vmem>> -> memref<1x128xi32, #tpu.memory_space<vmem>>
      %dma_start3A_403 = tpu.memref_squeeze %dma_start3A_402 : memref<1x128xi32, #tpu.memory_space<vmem>> -> memref<128xi32, #tpu.memory_space<vmem>>
      %dma_start3A_404 = arith.constant 0 : i32
      %dma_start3A_405 = tpu.memref_slice %arg2[%add3A_6, %dma_start3A_404] : memref<128x128xi32, #tpu.memory_space<hbm>> -> memref<1x128xi32, #tpu.memory_space<hbm>>
      %dma_start3A_406 = tpu.memref_squeeze %dma_start3A_405 : memref<1x128xi32, #tpu.memory_space<hbm>> -> memref<128xi32, #tpu.memory_space<hbm>>
      tpu.enqueue_dma source(%dma_start3A_406 : memref<128xi32, #tpu.memory_space<hbm>>) target(%dma_start3A_403 : memref<128xi32, #tpu.memory_space<vmem>>) target_semaphore(%run_scoped3A_394 : memref<!tpu.dma_semaphore, #tpu.memory_space<semaphore_mem>>)
      %dma_wait3A_407 = arith.constant 0 : i32
      %dma_wait3A_408 = tpu.memref_slice %arg10[%run_scoped3A, %dma_wait3A_407] : memref<4x128xi32, #tpu.memory_space<vmem>> -> memref<1x128xi32, #tpu.memory_space<vmem>>
      %dma_wait3A_409 = tpu.memref_squeeze %dma_wait3A_408 : memref<1x128xi32, #tpu.memory_space<vmem>> -> memref<128xi32, #tpu.memory_space<vmem>>
      %dma_wait3A_410 = arith.constant 0 : i32
      %dma_wait3A_411 = tpu.memref_slice %arg2[%add3A_6, %dma_wait3A_410] : memref<128x128xi32, #tpu.memory_space<hbm>> -> memref<1x128xi32, #tpu.memory_space<hbm>>
      %dma_wait3A_412 = tpu.memref_squeeze %dma_wait3A_411 : memref<1x128xi32, #tpu.memory_space<hbm>> -> memref<128xi32, #tpu.memory_space<hbm>>
      %dma_wait3A_413 = arith.constant 0 : i32
      %dma_wait3A_414 = tpu.memref_slice %arg10[%run_scoped3A, %dma_wait3A_413] : memref<4x128xi32, #tpu.memory_space<vmem>> -> memref<1x128xi32, #tpu.memory_space<vmem>>
      %dma_wait3A_415 = tpu.memref_squeeze %dma_wait3A_414 : memref<1x128xi32, #tpu.memory_space<vmem>> -> memref<128xi32, #tpu.memory_space<vmem>>
      %dma_wait3A_416 = arith.constant 0 : i32
      %dma_wait3A_417 = tpu.memref_slice %arg2[%add3A_6, %dma_wait3A_416] : memref<128x128xi32, #tpu.memory_space<hbm>> -> memref<1x128xi32, #tpu.memory_space<hbm>>
      %dma_wait3A_418 = tpu.memref_squeeze %dma_wait3A_417 : memref<1x128xi32, #tpu.memory_space<hbm>> -> memref<128xi32, #tpu.memory_space<hbm>>
      tpu.wait_dma2 semaphore(%run_scoped3A_394 : memref<!tpu.dma_semaphore, #tpu.memory_space<semaphore_mem>>) src(%dma_wait3A_418 : memref<128xi32, #tpu.memory_space<hbm>>) dst(%dma_wait3A_415 : memref<128xi32, #tpu.memory_space<vmem>>)
      tpu.yield
    }) : () -> ()
    %run_scoped3A_7 = arith.constant 0 : i32
    "tpu.region"() ({
      %run_scoped3A_394 = tpu.sem_alloc : memref<!tpu.dma_semaphore, #tpu.memory_space<semaphore_mem>>
      %dma_start3A_395 = arith.constant 0 : i32
      %dma_start3A_396 = tpu.memref_slice %arg11[%run_scoped3A_7, %dma_start3A_395] : memref<4x128xi32, #tpu.memory_space<vmem>> -> memref<1x128xi32, #tpu.memory_space<vmem>>
      %dma_start3A_397 = tpu.memref_squeeze %dma_start3A_396 : memref<1x128xi32, #tpu.memory_space<vmem>> -> memref<128xi32, #tpu.memory_space<vmem>>
      %dma_start3A_398 = arith.constant 0 : i32
      %dma_start3A_399 = tpu.memref_slice %arg3[%add3A_6, %dma_start3A_398] : memref<128x128xi32, #tpu.memory_space<hbm>> -> memref<1x128xi32, #tpu.memory_space<hbm>>
      %dma_start3A_400 = tpu.memref_squeeze %dma_start3A_399 : memref<1x128xi32, #tpu.memory_space<hbm>> -> memref<128xi32, #tpu.memory_space<hbm>>
      %dma_start3A_401 = arith.constant 0 : i32
      %dma_start3A_402 = tpu.memref_slice %arg11[%run_scoped3A_7, %dma_start3A_401] : memref<4x128xi32, #tpu.memory_space<vmem>> -> memref<1x128xi32, #tpu.memory_space<vmem>>
      %dma_start3A_403 = tpu.memref_squeeze %dma_start3A_402 : memref<1x128xi32, #tpu.memory_space<vmem>> -> memref<128xi32, #tpu.memory_space<vmem>>
      %dma_start3A_404 = arith.constant 0 : i32
      %dma_start3A_405 = tpu.memref_slice %arg3[%add3A_6, %dma_start3A_404] : memref<128x128xi32, #tpu.memory_space<hbm>> -> memref<1x128xi32, #tpu.memory_space<hbm>>
      %dma_start3A_406 = tpu.memref_squeeze %dma_start3A_405 : memref<1x128xi32, #tpu.memory_space<hbm>> -> memref<128xi32, #tpu.memory_space<hbm>>
      tpu.enqueue_dma source(%dma_start3A_406 : memref<128xi32, #tpu.memory_space<hbm>>) target(%dma_start3A_403 : memref<128xi32, #tpu.memory_space<vmem>>) target_semaphore(%run_scoped3A_394 : memref<!tpu.dma_semaphore, #tpu.memory_space<semaphore_mem>>)
      %dma_wait3A_407 = arith.constant 0 : i32
      %dma_wait3A_408 = tpu.memref_slice %arg11[%run_scoped3A_7, %dma_wait3A_407] : memref<4x128xi32, #tpu.memory_space<vmem>> -> memref<1x128xi32, #tpu.memory_space<vmem>>
      %dma_wait3A_409 = tpu.memref_squeeze %dma_wait3A_408 : memref<1x128xi32, #tpu.memory_space<vmem>> -> memref<128xi32, #tpu.memory_space<vmem>>
      %dma_wait3A_410 = arith.constant 0 : i32
      %dma_wait3A_411 = tpu.memref_slice %arg3[%add3A_6, %dma_wait3A_410] : memref<128x128xi32, #tpu.memory_space<hbm>> -> memref<1x128xi32, #tpu.memory_space<hbm>>
      %dma_wait3A_412 = tpu.memref_squeeze %dma_wait3A_411 : memref<1x128xi32, #tpu.memory_space<hbm>> -> memref<128xi32, #tpu.memory_space<hbm>>
      %dma_wait3A_413 = arith.constant 0 : i32
      %dma_wait3A_414 = tpu.memref_slice %arg11[%run_scoped3A_7, %dma_wait3A_413] : memref<4x128xi32, #tpu.memory_space<vmem>> -> memref<1x128xi32, #tpu.memory_space<vmem>>
      %dma_wait3A_415 = tpu.memref_squeeze %dma_wait3A_414 : memref<1x128xi32, #tpu.memory_space<vmem>> -> memref<128xi32, #tpu.memory_space<vmem>>
      %dma_wait3A_416 = arith.constant 0 : i32
      %dma_wait3A_417 = tpu.memref_slice %arg3[%add3A_6, %dma_wait3A_416] : memref<128x128xi32, #tpu.memory_space<hbm>> -> memref<1x128xi32, #tpu.memory_space<hbm>>
      %dma_wait3A_418 = tpu.memref_squeeze %dma_wait3A_417 : memref<1x128xi32, #tpu.memory_space<hbm>> -> memref<128xi32, #tpu.memory_space<hbm>>
      tpu.wait_dma2 semaphore(%run_scoped3A_394 : memref<!tpu.dma_semaphore, #tpu.memory_space<semaphore_mem>>) src(%dma_wait3A_418 : memref<128xi32, #tpu.memory_space<hbm>>) dst(%dma_wait3A_415 : memref<128xi32, #tpu.memory_space<vmem>>)
      tpu.yield
    }) : () -> ()
    %mul3A_8 = arith.constant 4 : i32
    %mul3A_9 = arith.muli %add3A, %mul3A_8 : i32
    %add3A_10 = arith.constant 1 : i32
    %add3A_11 = arith.addi %mul3A_9, %add3A_10 : i32
    %run_scoped3A_12 = arith.constant 1 : i32
    "tpu.region"() ({
      %run_scoped3A_394 = tpu.sem_alloc : memref<!tpu.dma_semaphore, #tpu.memory_space<semaphore_mem>>
      %dma_start3A_395 = arith.constant 0 : i32
      %dma_start3A_396 = tpu.memref_slice %arg10[%run_scoped3A_12, %dma_start3A_395] : memref<4x128xi32, #tpu.memory_space<vmem>> -> memref<1x128xi32, #tpu.memory_space<vmem>>
      %dma_start3A_397 = tpu.memref_squeeze %dma_start3A_396 : memref<1x128xi32, #tpu.memory_space<vmem>> -> memref<128xi32, #tpu.memory_space<vmem>>
      %dma_start3A_398 = arith.constant 0 : i32
      %dma_start3A_399 = tpu.memref_slice %arg2[%add3A_11, %dma_start3A_398] : memref<128x128xi32, #tpu.memory_space<hbm>> -> memref<1x128xi32, #tpu.memory_space<hbm>>
      %dma_start3A_400 = tpu.memref_squeeze %dma_start3A_399 : memref<1x128xi32, #tpu.memory_space<hbm>> -> memref<128xi32, #tpu.memory_space<hbm>>
      %dma_start3A_401 = arith.constant 0 : i32
      %dma_start3A_402 = tpu.memref_slice %arg10[%run_scoped3A_12, %dma_start3A_401] : memref<4x128xi32, #tpu.memory_space<vmem>> -> memref<1x128xi32, #tpu.memory_space<vmem>>
      %dma_start3A_403 = tpu.memref_squeeze %dma_start3A_402 : memref<1x128xi32, #tpu.memory_space<vmem>> -> memref<128xi32, #tpu.memory_space<vmem>>
      %dma_start3A_404 = arith.constant 0 : i32
      %dma_start3A_405 = tpu.memref_slice %arg2[%add3A_11, %dma_start3A_404] : memref<128x128xi32, #tpu.memory_space<hbm>> -> memref<1x128xi32, #tpu.memory_space<hbm>>
      %dma_start3A_406 = tpu.memref_squeeze %dma_start3A_405 : memref<1x128xi32, #tpu.memory_space<hbm>> -> memref<128xi32, #tpu.memory_space<hbm>>
      tpu.enqueue_dma source(%dma_start3A_406 : memref<128xi32, #tpu.memory_space<hbm>>) target(%dma_start3A_403 : memref<128xi32, #tpu.memory_space<vmem>>) target_semaphore(%run_scoped3A_394 : memref<!tpu.dma_semaphore, #tpu.memory_space<semaphore_mem>>)
      %dma_wait3A_407 = arith.constant 0 : i32
      %dma_wait3A_408 = tpu.memref_slice %arg10[%run_scoped3A_12, %dma_wait3A_407] : memref<4x128xi32, #tpu.memory_space<vmem>> -> memref<1x128xi32, #tpu.memory_space<vmem>>
      %dma_wait3A_409 = tpu.memref_squeeze %dma_wait3A_408 : memref<1x128xi32, #tpu.memory_space<vmem>> -> memref<128xi32, #tpu.memory_space<vmem>>
      %dma_wait3A_410 = arith.constant 0 : i32
      %dma_wait3A_411 = tpu.memref_slice %arg2[%add3A_11, %dma_wait3A_410] : memref<128x128xi32, #tpu.memory_space<hbm>> -> memref<1x128xi32, #tpu.memory_space<hbm>>
      %dma_wait3A_412 = tpu.memref_squeeze %dma_wait3A_411 : memref<1x128xi32, #tpu.memory_space<hbm>> -> memref<128xi32, #tpu.memory_space<hbm>>
      %dma_wait3A_413 = arith.constant 0 : i32
      %dma_wait3A_414 = tpu.memref_slice %arg10[%run_scoped3A_12, %dma_wait3A_413] : memref<4x128xi32, #tpu.memory_space<vmem>> -> memref<1x128xi32, #tpu.memory_space<vmem>>
      %dma_wait3A_415 = tpu.memref_squeeze %dma_wait3A_414 : memref<1x128xi32, #tpu.memory_space<vmem>> -> memref<128xi32, #tpu.memory_space<vmem>>
      %dma_wait3A_416 = arith.constant 0 : i32
      %dma_wait3A_417 = tpu.memref_slice %arg2[%add3A_11, %dma_wait3A_416] : memref<128x128xi32, #tpu.memory_space<hbm>> -> memref<1x128xi32, #tpu.memory_space<hbm>>
      %dma_wait3A_418 = tpu.memref_squeeze %dma_wait3A_417 : memref<1x128xi32, #tpu.memory_space<hbm>> -> memref<128xi32, #tpu.memory_space<hbm>>
      tpu.wait_dma2 semaphore(%run_scoped3A_394 : memref<!tpu.dma_semaphore, #tpu.memory_space<semaphore_mem>>) src(%dma_wait3A_418 : memref<128xi32, #tpu.memory_space<hbm>>) dst(%dma_wait3A_415 : memref<128xi32, #tpu.memory_space<vmem>>)
      tpu.yield
    }) : () -> ()
    %run_scoped3A_13 = arith.constant 1 : i32
    "tpu.region"() ({
      %run_scoped3A_394 = tpu.sem_alloc : memref<!tpu.dma_semaphore, #tpu.memory_space<semaphore_mem>>
      %dma_start3A_395 = arith.constant 0 : i32
      %dma_start3A_396 = tpu.memref_slice %arg11[%run_scoped3A_13, %dma_start3A_395] : memref<4x128xi32, #tpu.memory_space<vmem>> -> memref<1x128xi32, #tpu.memory_space<vmem>>
      %dma_start3A_397 = tpu.memref_squeeze %dma_start3A_396 : memref<1x128xi32, #tpu.memory_space<vmem>> -> memref<128xi32, #tpu.memory_space<vmem>>
      %dma_start3A_398 = arith.constant 0 : i32
      %dma_start3A_399 = tpu.memref_slice %arg3[%add3A_11, %dma_start3A_398] : memref<128x128xi32, #tpu.memory_space<hbm>> -> memref<1x128xi32, #tpu.memory_space<hbm>>
      %dma_start3A_400 = tpu.memref_squeeze %dma_start3A_399 : memref<1x128xi32, #tpu.memory_space<hbm>> -> memref<128xi32, #tpu.memory_space<hbm>>
      %dma_start3A_401 = arith.constant 0 : i32
      %dma_start3A_402 = tpu.memref_slice %arg11[%run_scoped3A_13, %dma_start3A_401] : memref<4x128xi32, #tpu.memory_space<vmem>> -> memref<1x128xi32, #tpu.memory_space<vmem>>
      %dma_start3A_403 = tpu.memref_squeeze %dma_start3A_402 : memref<1x128xi32, #tpu.memory_space<vmem>> -> memref<128xi32, #tpu.memory_space<vmem>>
      %dma_start3A_404 = arith.constant 0 : i32
      %dma_start3A_405 = tpu.memref_slice %arg3[%add3A_11, %dma_start3A_404] : memref<128x128xi32, #tpu.memory_space<hbm>> -> memref<1x128xi32, #tpu.memory_space<hbm>>
      %dma_start3A_406 = tpu.memref_squeeze %dma_start3A_405 : memref<1x128xi32, #tpu.memory_space<hbm>> -> memref<128xi32, #tpu.memory_space<hbm>>
      tpu.enqueue_dma source(%dma_start3A_406 : memref<128xi32, #tpu.memory_space<hbm>>) target(%dma_start3A_403 : memref<128xi32, #tpu.memory_space<vmem>>) target_semaphore(%run_scoped3A_394 : memref<!tpu.dma_semaphore, #tpu.memory_space<semaphore_mem>>)
      %dma_wait3A_407 = arith.constant 0 : i32
      %dma_wait3A_408 = tpu.memref_slice %arg11[%run_scoped3A_13, %dma_wait3A_407] : memref<4x128xi32, #tpu.memory_space<vmem>> -> memref<1x128xi32, #tpu.memory_space<vmem>>
      %dma_wait3A_409 = tpu.memref_squeeze %dma_wait3A_408 : memref<1x128xi32, #tpu.memory_space<vmem>> -> memref<128xi32, #tpu.memory_space<vmem>>
      %dma_wait3A_410 = arith.constant 0 : i32
      %dma_wait3A_411 = tpu.memref_slice %arg3[%add3A_11, %dma_wait3A_410] : memref<128x128xi32, #tpu.memory_space<hbm>> -> memref<1x128xi32, #tpu.memory_space<hbm>>
      %dma_wait3A_412 = tpu.memref_squeeze %dma_wait3A_411 : memref<1x128xi32, #tpu.memory_space<hbm>> -> memref<128xi32, #tpu.memory_space<hbm>>
      %dma_wait3A_413 = arith.constant 0 : i32
      %dma_wait3A_414 = tpu.memref_slice %arg11[%run_scoped3A_13, %dma_wait3A_413] : memref<4x128xi32, #tpu.memory_space<vmem>> -> memref<1x128xi32, #tpu.memory_space<vmem>>
      %dma_wait3A_415 = tpu.memref_squeeze %dma_wait3A_414 : memref<1x128xi32, #tpu.memory_space<vmem>> -> memref<128xi32, #tpu.memory_space<vmem>>
      %dma_wait3A_416 = arith.constant 0 : i32
      %dma_wait3A_417 = tpu.memref_slice %arg3[%add3A_11, %dma_wait3A_416] : memref<128x128xi32, #tpu.memory_space<hbm>> -> memref<1x128xi32, #tpu.memory_space<hbm>>
      %dma_wait3A_418 = tpu.memref_squeeze %dma_wait3A_417 : memref<1x128xi32, #tpu.memory_space<hbm>> -> memref<128xi32, #tpu.memory_space<hbm>>
      tpu.wait_dma2 semaphore(%run_scoped3A_394 : memref<!tpu.dma_semaphore, #tpu.memory_space<semaphore_mem>>) src(%dma_wait3A_418 : memref<128xi32, #tpu.memory_space<hbm>>) dst(%dma_wait3A_415 : memref<128xi32, #tpu.memory_space<vmem>>)
      tpu.yield
    }) : () -> ()
    %mul3A_14 = arith.constant 4 : i32
    %mul3A_15 = arith.muli %add3A, %mul3A_14 : i32
    %add3A_16 = arith.constant 2 : i32
    %add3A_17 = arith.addi %mul3A_15, %add3A_16 : i32
    %run_scoped3A_18 = arith.constant 2 : i32
    "tpu.region"() ({
      %run_scoped3A_394 = tpu.sem_alloc : memref<!tpu.dma_semaphore, #tpu.memory_space<semaphore_mem>>
      %dma_start3A_395 = arith.constant 0 : i32
      %dma_start3A_396 = tpu.memref_slice %arg10[%run_scoped3A_18, %dma_start3A_395] : memref<4x128xi32, #tpu.memory_space<vmem>> -> memref<1x128xi32, #tpu.memory_space<vmem>>
      %dma_start3A_397 = tpu.memref_squeeze %dma_start3A_396 : memref<1x128xi32, #tpu.memory_space<vmem>> -> memref<128xi32, #tpu.memory_space<vmem>>
      %dma_start3A_398 = arith.constant 0 : i32
      %dma_start3A_399 = tpu.memref_slice %arg2[%add3A_17, %dma_start3A_398] : memref<128x128xi32, #tpu.memory_space<hbm>> -> memref<1x128xi32, #tpu.memory_space<hbm>>
      %dma_start3A_400 = tpu.memref_squeeze %dma_start3A_399 : memref<1x128xi32, #tpu.memory_space<hbm>> -> memref<128xi32, #tpu.memory_space<hbm>>
      %dma_start3A_401 = arith.constant 0 : i32
      %dma_start3A_402 = tpu.memref_slice %arg10[%run_scoped3A_18, %dma_start3A_401] : memref<4x128xi32, #tpu.memory_space<vmem>> -> memref<1x128xi32, #tpu.memory_space<vmem>>
      %dma_start3A_403 = tpu.memref_squeeze %dma_start3A_402 : memref<1x128xi32, #tpu.memory_space<vmem>> -> memref<128xi32, #tpu.memory_space<vmem>>
      %dma_start3A_404 = arith.constant 0 : i32
      %dma_start3A_405 = tpu.memref_slice %arg2[%add3A_17, %dma_start3A_404] : memref<128x128xi32, #tpu.memory_space<hbm>> -> memref<1x128xi32, #tpu.memory_space<hbm>>
      %dma_start3A_406 = tpu.memref_squeeze %dma_start3A_405 : memref<1x128xi32, #tpu.memory_space<hbm>> -> memref<128xi32, #tpu.memory_space<hbm>>
      tpu.enqueue_dma source(%dma_start3A_406 : memref<128xi32, #tpu.memory_space<hbm>>) target(%dma_start3A_403 : memref<128xi32, #tpu.memory_space<vmem>>) target_semaphore(%run_scoped3A_394 : memref<!tpu.dma_semaphore, #tpu.memory_space<semaphore_mem>>)
      %dma_wait3A_407 = arith.constant 0 : i32
      %dma_wait3A_408 = tpu.memref_slice %arg10[%run_scoped3A_18, %dma_wait3A_407] : memref<4x128xi32, #tpu.memory_space<vmem>> -> memref<1x128xi32, #tpu.memory_space<vmem>>
      %dma_wait3A_409 = tpu.memref_squeeze %dma_wait3A_408 : memref<1x128xi32, #tpu.memory_space<vmem>> -> memref<128xi32, #tpu.memory_space<vmem>>
      %dma_wait3A_410 = arith.constant 0 : i32
      %dma_wait3A_411 = tpu.memref_slice %arg2[%add3A_17, %dma_wait3A_410] : memref<128x128xi32, #tpu.memory_space<hbm>> -> memref<1x128xi32, #tpu.memory_space<hbm>>
      %dma_wait3A_412 = tpu.memref_squeeze %dma_wait3A_411 : memref<1x128xi32, #tpu.memory_space<hbm>> -> memref<128xi32, #tpu.memory_space<hbm>>
      %dma_wait3A_413 = arith.constant 0 : i32
      %dma_wait3A_414 = tpu.memref_slice %arg10[%run_scoped3A_18, %dma_wait3A_413] : memref<4x128xi32, #tpu.memory_space<vmem>> -> memref<1x128xi32, #tpu.memory_space<vmem>>
      %dma_wait3A_415 = tpu.memref_squeeze %dma_wait3A_414 : memref<1x128xi32, #tpu.memory_space<vmem>> -> memref<128xi32, #tpu.memory_space<vmem>>
      %dma_wait3A_416 = arith.constant 0 : i32
      %dma_wait3A_417 = tpu.memref_slice %arg2[%add3A_17, %dma_wait3A_416] : memref<128x128xi32, #tpu.memory_space<hbm>> -> memref<1x128xi32, #tpu.memory_space<hbm>>
      %dma_wait3A_418 = tpu.memref_squeeze %dma_wait3A_417 : memref<1x128xi32, #tpu.memory_space<hbm>> -> memref<128xi32, #tpu.memory_space<hbm>>
      tpu.wait_dma2 semaphore(%run_scoped3A_394 : memref<!tpu.dma_semaphore, #tpu.memory_space<semaphore_mem>>) src(%dma_wait3A_418 : memref<128xi32, #tpu.memory_space<hbm>>) dst(%dma_wait3A_415 : memref<128xi32, #tpu.memory_space<vmem>>)
      tpu.yield
    }) : () -> ()
    %run_scoped3A_19 = arith.constant 2 : i32
    "tpu.region"() ({
      %run_scoped3A_394 = tpu.sem_alloc : memref<!tpu.dma_semaphore, #tpu.memory_space<semaphore_mem>>
      %dma_start3A_395 = arith.constant 0 : i32
      %dma_start3A_396 = tpu.memref_slice %arg11[%run_scoped3A_19, %dma_start3A_395] : memref<4x128xi32, #tpu.memory_space<vmem>> -> memref<1x128xi32, #tpu.memory_space<vmem>>
      %dma_start3A_397 = tpu.memref_squeeze %dma_start3A_396 : memref<1x128xi32, #tpu.memory_space<vmem>> -> memref<128xi32, #tpu.memory_space<vmem>>
      %dma_start3A_398 = arith.constant 0 : i32
      %dma_start3A_399 = tpu.memref_slice %arg3[%add3A_17, %dma_start3A_398] : memref<128x128xi32, #tpu.memory_space<hbm>> -> memref<1x128xi32, #tpu.memory_space<hbm>>
      %dma_start3A_400 = tpu.memref_squeeze %dma_start3A_399 : memref<1x128xi32, #tpu.memory_space<hbm>> -> memref<128xi32, #tpu.memory_space<hbm>>
      %dma_start3A_401 = arith.constant 0 : i32
      %dma_start3A_402 = tpu.memref_slice %arg11[%run_scoped3A_19, %dma_start3A_401] : memref<4x128xi32, #tpu.memory_space<vmem>> -> memref<1x128xi32, #tpu.memory_space<vmem>>
      %dma_start3A_403 = tpu.memref_squeeze %dma_start3A_402 : memref<1x128xi32, #tpu.memory_space<vmem>> -> memref<128xi32, #tpu.memory_space<vmem>>
      %dma_start3A_404 = arith.constant 0 : i32
      %dma_start3A_405 = tpu.memref_slice %arg3[%add3A_17, %dma_start3A_404] : memref<128x128xi32, #tpu.memory_space<hbm>> -> memref<1x128xi32, #tpu.memory_space<hbm>>
      %dma_start3A_406 = tpu.memref_squeeze %dma_start3A_405 : memref<1x128xi32, #tpu.memory_space<hbm>> -> memref<128xi32, #tpu.memory_space<hbm>>
      tpu.enqueue_dma source(%dma_start3A_406 : memref<128xi32, #tpu.memory_space<hbm>>) target(%dma_start3A_403 : memref<128xi32, #tpu.memory_space<vmem>>) target_semaphore(%run_scoped3A_394 : memref<!tpu.dma_semaphore, #tpu.memory_space<semaphore_mem>>)
      %dma_wait3A_407 = arith.constant 0 : i32
      %dma_wait3A_408 = tpu.memref_slice %arg11[%run_scoped3A_19, %dma_wait3A_407] : memref<4x128xi32, #tpu.memory_space<vmem>> -> memref<1x128xi32, #tpu.memory_space<vmem>>
      %dma_wait3A_409 = tpu.memref_squeeze %dma_wait3A_408 : memref<1x128xi32, #tpu.memory_space<vmem>> -> memref<128xi32, #tpu.memory_space<vmem>>
      %dma_wait3A_410 = arith.constant 0 : i32
      %dma_wait3A_411 = tpu.memref_slice %arg3[%add3A_17, %dma_wait3A_410] : memref<128x128xi32, #tpu.memory_space<hbm>> -> memref<1x128xi32, #tpu.memory_space<hbm>>
      %dma_wait3A_412 = tpu.memref_squeeze %dma_wait3A_411 : memref<1x128xi32, #tpu.memory_space<hbm>> -> memref<128xi32, #tpu.memory_space<hbm>>
      %dma_wait3A_413 = arith.constant 0 : i32
      %dma_wait3A_414 = tpu.memref_slice %arg11[%run_scoped3A_19, %dma_wait3A_413] : memref<4x128xi32, #tpu.memory_space<vmem>> -> memref<1x128xi32, #tpu.memory_space<vmem>>
      %dma_wait3A_415 = tpu.memref_squeeze %dma_wait3A_414 : memref<1x128xi32, #tpu.memory_space<vmem>> -> memref<128xi32, #tpu.memory_space<vmem>>
      %dma_wait3A_416 = arith.constant 0 : i32
      %dma_wait3A_417 = tpu.memref_slice %arg3[%add3A_17, %dma_wait3A_416] : memref<128x128xi32, #tpu.memory_space<hbm>> -> memref<1x128xi32, #tpu.memory_space<hbm>>
      %dma_wait3A_418 = tpu.memref_squeeze %dma_wait3A_417 : memref<1x128xi32, #tpu.memory_space<hbm>> -> memref<128xi32, #tpu.memory_space<hbm>>
      tpu.wait_dma2 semaphore(%run_scoped3A_394 : memref<!tpu.dma_semaphore, #tpu.memory_space<semaphore_mem>>) src(%dma_wait3A_418 : memref<128xi32, #tpu.memory_space<hbm>>) dst(%dma_wait3A_415 : memref<128xi32, #tpu.memory_space<vmem>>)
      tpu.yield
    }) : () -> ()
    %mul3A_20 = arith.constant 4 : i32
    %mul3A_21 = arith.muli %add3A, %mul3A_20 : i32
    %add3A_22 = arith.constant 3 : i32
    %add3A_23 = arith.addi %mul3A_21, %add3A_22 : i32
    %run_scoped3A_24 = arith.constant 3 : i32
    "tpu.region"() ({
      %run_scoped3A_394 = tpu.sem_alloc : memref<!tpu.dma_semaphore, #tpu.memory_space<semaphore_mem>>
      %dma_start3A_395 = arith.constant 0 : i32
      %dma_start3A_396 = tpu.memref_slice %arg10[%run_scoped3A_24, %dma_start3A_395] : memref<4x128xi32, #tpu.memory_space<vmem>> -> memref<1x128xi32, #tpu.memory_space<vmem>>
      %dma_start3A_397 = tpu.memref_squeeze %dma_start3A_396 : memref<1x128xi32, #tpu.memory_space<vmem>> -> memref<128xi32, #tpu.memory_space<vmem>>
      %dma_start3A_398 = arith.constant 0 : i32
      %dma_start3A_399 = tpu.memref_slice %arg2[%add3A_23, %dma_start3A_398] : memref<128x128xi32, #tpu.memory_space<hbm>> -> memref<1x128xi32, #tpu.memory_space<hbm>>
      %dma_start3A_400 = tpu.memref_squeeze %dma_start3A_399 : memref<1x128xi32, #tpu.memory_space<hbm>> -> memref<128xi32, #tpu.memory_space<hbm>>
      %dma_start3A_401 = arith.constant 0 : i32
      %dma_start3A_402 = tpu.memref_slice %arg10[%run_scoped3A_24, %dma_start3A_401] : memref<4x128xi32, #tpu.memory_space<vmem>> -> memref<1x128xi32, #tpu.memory_space<vmem>>
      %dma_start3A_403 = tpu.memref_squeeze %dma_start3A_402 : memref<1x128xi32, #tpu.memory_space<vmem>> -> memref<128xi32, #tpu.memory_space<vmem>>
      %dma_start3A_404 = arith.constant 0 : i32
      %dma_start3A_405 = tpu.memref_slice %arg2[%add3A_23, %dma_start3A_404] : memref<128x128xi32, #tpu.memory_space<hbm>> -> memref<1x128xi32, #tpu.memory_space<hbm>>
      %dma_start3A_406 = tpu.memref_squeeze %dma_start3A_405 : memref<1x128xi32, #tpu.memory_space<hbm>> -> memref<128xi32, #tpu.memory_space<hbm>>
      tpu.enqueue_dma source(%dma_start3A_406 : memref<128xi32, #tpu.memory_space<hbm>>) target(%dma_start3A_403 : memref<128xi32, #tpu.memory_space<vmem>>) target_semaphore(%run_scoped3A_394 : memref<!tpu.dma_semaphore, #tpu.memory_space<semaphore_mem>>)
      %dma_wait3A_407 = arith.constant 0 : i32
      %dma_wait3A_408 = tpu.memref_slice %arg10[%run_scoped3A_24, %dma_wait3A_407] : memref<4x128xi32, #tpu.memory_space<vmem>> -> memref<1x128xi32, #tpu.memory_space<vmem>>
      %dma_wait3A_409 = tpu.memref_squeeze %dma_wait3A_408 : memref<1x128xi32, #tpu.memory_space<vmem>> -> memref<128xi32, #tpu.memory_space<vmem>>
      %dma_wait3A_410 = arith.constant 0 : i32
      %dma_wait3A_411 = tpu.memref_slice %arg2[%add3A_23, %dma_wait3A_410] : memref<128x128xi32, #tpu.memory_space<hbm>> -> memref<1x128xi32, #tpu.memory_space<hbm>>
      %dma_wait3A_412 = tpu.memref_squeeze %dma_wait3A_411 : memref<1x128xi32, #tpu.memory_space<hbm>> -> memref<128xi32, #tpu.memory_space<hbm>>
      %dma_wait3A_413 = arith.constant 0 : i32
      %dma_wait3A_414 = tpu.memref_slice %arg10[%run_scoped3A_24, %dma_wait3A_413] : memref<4x128xi32, #tpu.memory_space<vmem>> -> memref<1x128xi32, #tpu.memory_space<vmem>>
      %dma_wait3A_415 = tpu.memref_squeeze %dma_wait3A_414 : memref<1x128xi32, #tpu.memory_space<vmem>> -> memref<128xi32, #tpu.memory_space<vmem>>
      %dma_wait3A_416 = arith.constant 0 : i32
      %dma_wait3A_417 = tpu.memref_slice %arg2[%add3A_23, %dma_wait3A_416] : memref<128x128xi32, #tpu.memory_space<hbm>> -> memref<1x128xi32, #tpu.memory_space<hbm>>
      %dma_wait3A_418 = tpu.memref_squeeze %dma_wait3A_417 : memref<1x128xi32, #tpu.memory_space<hbm>> -> memref<128xi32, #tpu.memory_space<hbm>>
      tpu.wait_dma2 semaphore(%run_scoped3A_394 : memref<!tpu.dma_semaphore, #tpu.memory_space<semaphore_mem>>) src(%dma_wait3A_418 : memref<128xi32, #tpu.memory_space<hbm>>) dst(%dma_wait3A_415 : memref<128xi32, #tpu.memory_space<vmem>>)
      tpu.yield
    }) : () -> ()
    %run_scoped3A_25 = arith.constant 3 : i32
    "tpu.region"() ({
      %run_scoped3A_394 = tpu.sem_alloc : memref<!tpu.dma_semaphore, #tpu.memory_space<semaphore_mem>>
      %dma_start3A_395 = arith.constant 0 : i32
      %dma_start3A_396 = tpu.memref_slice %arg11[%run_scoped3A_25, %dma_start3A_395] : memref<4x128xi32, #tpu.memory_space<vmem>> -> memref<1x128xi32, #tpu.memory_space<vmem>>
      %dma_start3A_397 = tpu.memref_squeeze %dma_start3A_396 : memref<1x128xi32, #tpu.memory_space<vmem>> -> memref<128xi32, #tpu.memory_space<vmem>>
      %dma_start3A_398 = arith.constant 0 : i32
      %dma_start3A_399 = tpu.memref_slice %arg3[%add3A_23, %dma_start3A_398] : memref<128x128xi32, #tpu.memory_space<hbm>> -> memref<1x128xi32, #tpu.memory_space<hbm>>
      %dma_start3A_400 = tpu.memref_squeeze %dma_start3A_399 : memref<1x128xi32, #tpu.memory_space<hbm>> -> memref<128xi32, #tpu.memory_space<hbm>>
      %dma_start3A_401 = arith.constant 0 : i32
      %dma_start3A_402 = tpu.memref_slice %arg11[%run_scoped3A_25, %dma_start3A_401] : memref<4x128xi32, #tpu.memory_space<vmem>> -> memref<1x128xi32, #tpu.memory_space<vmem>>
      %dma_start3A_403 = tpu.memref_squeeze %dma_start3A_402 : memref<1x128xi32, #tpu.memory_space<vmem>> -> memref<128xi32, #tpu.memory_space<vmem>>
      %dma_start3A_404 = arith.constant 0 : i32
      %dma_start3A_405 = tpu.memref_slice %arg3[%add3A_23, %dma_start3A_404] : memref<128x128xi32, #tpu.memory_space<hbm>> -> memref<1x128xi32, #tpu.memory_space<hbm>>
      %dma_start3A_406 = tpu.memref_squeeze %dma_start3A_405 : memref<1x128xi32, #tpu.memory_space<hbm>> -> memref<128xi32, #tpu.memory_space<hbm>>
      tpu.enqueue_dma source(%dma_start3A_406 : memref<128xi32, #tpu.memory_space<hbm>>) target(%dma_start3A_403 : memref<128xi32, #tpu.memory_space<vmem>>) target_semaphore(%run_scoped3A_394 : memref<!tpu.dma_semaphore, #tpu.memory_space<semaphore_mem>>)
      %dma_wait3A_407 = arith.constant 0 : i32
      %dma_wait3A_408 = tpu.memref_slice %arg11[%run_scoped3A_25, %dma_wait3A_407] : memref<4x128xi32, #tpu.memory_space<vmem>> -> memref<1x128xi32, #tpu.memory_space<vmem>>
      %dma_wait3A_409 = tpu.memref_squeeze %dma_wait3A_408 : memref<1x128xi32, #tpu.memory_space<vmem>> -> memref<128xi32, #tpu.memory_space<vmem>>
      %dma_wait3A_410 = arith.constant 0 : i32
      %dma_wait3A_411 = tpu.memref_slice %arg3[%add3A_23, %dma_wait3A_410] : memref<128x128xi32, #tpu.memory_space<hbm>> -> memref<1x128xi32, #tpu.memory_space<hbm>>
      %dma_wait3A_412 = tpu.memref_squeeze %dma_wait3A_411 : memref<1x128xi32, #tpu.memory_space<hbm>> -> memref<128xi32, #tpu.memory_space<hbm>>
      %dma_wait3A_413 = arith.constant 0 : i32
      %dma_wait3A_414 = tpu.memref_slice %arg11[%run_scoped3A_25, %dma_wait3A_413] : memref<4x128xi32, #tpu.memory_space<vmem>> -> memref<1x128xi32, #tpu.memory_space<vmem>>
      %dma_wait3A_415 = tpu.memref_squeeze %dma_wait3A_414 : memref<1x128xi32, #tpu.memory_space<vmem>> -> memref<128xi32, #tpu.memory_space<vmem>>
      %dma_wait3A_416 = arith.constant 0 : i32
      %dma_wait3A_417 = tpu.memref_slice %arg3[%add3A_23, %dma_wait3A_416] : memref<128x128xi32, #tpu.memory_space<hbm>> -> memref<1x128xi32, #tpu.memory_space<hbm>>
      %dma_wait3A_418 = tpu.memref_squeeze %dma_wait3A_417 : memref<1x128xi32, #tpu.memory_space<hbm>> -> memref<128xi32, #tpu.memory_space<hbm>>
      tpu.wait_dma2 semaphore(%run_scoped3A_394 : memref<!tpu.dma_semaphore, #tpu.memory_space<semaphore_mem>>) src(%dma_wait3A_418 : memref<128xi32, #tpu.memory_space<hbm>>) dst(%dma_wait3A_415 : memref<128xi32, #tpu.memory_space<vmem>>)
      tpu.yield
    }) : () -> ()
    "tpu.region"() ({
      %run_scoped3A_394 = tpu.sem_alloc : memref<!tpu.dma_semaphore, #tpu.memory_space<semaphore_mem>>
      tpu.enqueue_dma source(%arg8 : memref<16xf32, #tpu.memory_space<hbm>>) target(%arg16 : memref<16xf32, #tpu.memory_space<vmem>>) target_semaphore(%run_scoped3A_394 : memref<!tpu.dma_semaphore, #tpu.memory_space<semaphore_mem>>)
      tpu.wait_dma2 semaphore(%run_scoped3A_394 : memref<!tpu.dma_semaphore, #tpu.memory_space<semaphore_mem>>) src(%arg8 : memref<16xf32, #tpu.memory_space<hbm>>) dst(%arg16 : memref<16xf32, #tpu.memory_space<vmem>>)
      tpu.yield
    }) : () -> ()
    %dma_start3A = arith.constant 0 : i32
    %dma_start3A_26 = arith.constant 0 : i32
    %dma_start3A_27 = arith.constant 0 : i32
    %dma_start3A_28 = tpu.memref_slice %arg12[%dma_start3A_26, %dma_start3A_27] : memref<512x32xf32, #tpu.memory_space<vmem>> -> memref<128x32xf32, #tpu.memory_space<vmem>>
    %dma_start3A_29 = arith.constant 0 : i32
    %dma_start3A_30 = tpu.memref_slice %arg10[%dma_start3A, %dma_start3A_29] : memref<4x128xi32, #tpu.memory_space<vmem>> -> memref<1x128xi32, #tpu.memory_space<vmem>>
    %dma_start3A_31 = tpu.memref_squeeze %dma_start3A_30 : memref<1x128xi32, #tpu.memory_space<vmem>> -> memref<128xi32, #tpu.memory_space<vmem>>
    %dma_start3A_32 = arith.constant 0 : i32
    %dma_start3A_33 = arith.constant 0 : i32
    %dma_start3A_34 = tpu.memref_slice %arg4[%dma_start3A_32, %dma_start3A_33] : memref<1000001x32xf32, #tpu.memory_space<hbm>> -> memref<1000001x32xf32, #tpu.memory_space<hbm>>
    tpu.enqueue_indirect_dma source(%dma_start3A_34 : memref<1000001x32xf32, #tpu.memory_space<hbm>>) target(%dma_start3A_28 : memref<128x32xf32, #tpu.memory_space<vmem>>) offsets(%dma_start3A_31 : memref<128xi32, #tpu.memory_space<vmem>>) semaphore(%arg18 : memref<!tpu.dma_semaphore, #tpu.memory_space<semaphore_mem>>)
    %dma_start3A_35 = arith.constant 0 : i32
    %dma_start3A_36 = arith.constant 0 : i32
    %dma_start3A_37 = arith.constant 0 : i32
    %dma_start3A_38 = tpu.memref_slice %arg13[%dma_start3A_36, %dma_start3A_37] : memref<512x32xf32, #tpu.memory_space<vmem>> -> memref<128x32xf32, #tpu.memory_space<vmem>>
    %dma_start3A_39 = arith.constant 0 : i32
    %dma_start3A_40 = tpu.memref_slice %arg11[%dma_start3A_35, %dma_start3A_39] : memref<4x128xi32, #tpu.memory_space<vmem>> -> memref<1x128xi32, #tpu.memory_space<vmem>>
    %dma_start3A_41 = tpu.memref_squeeze %dma_start3A_40 : memref<1x128xi32, #tpu.memory_space<vmem>> -> memref<128xi32, #tpu.memory_space<vmem>>
    %dma_start3A_42 = arith.constant 0 : i32
    %dma_start3A_43 = arith.constant 0 : i32
    %dma_start3A_44 = tpu.memref_slice %arg5[%dma_start3A_42, %dma_start3A_43] : memref<1000001x32xf32, #tpu.memory_space<hbm>> -> memref<1000001x32xf32, #tpu.memory_space<hbm>>
    tpu.enqueue_indirect_dma source(%dma_start3A_44 : memref<1000001x32xf32, #tpu.memory_space<hbm>>) target(%dma_start3A_38 : memref<128x32xf32, #tpu.memory_space<vmem>>) offsets(%dma_start3A_41 : memref<128xi32, #tpu.memory_space<vmem>>) semaphore(%arg18 : memref<!tpu.dma_semaphore, #tpu.memory_space<semaphore_mem>>)
    %dma_start3A_45 = arith.constant 0 : i32
    %dma_start3A_46 = arith.constant 0 : i32
    %dma_start3A_47 = arith.constant 0 : i32
    %dma_start3A_48 = tpu.memref_slice %arg14[%dma_start3A_47] : memref<512xf32, #tpu.memory_space<vmem>> -> memref<128xf32, #tpu.memory_space<vmem>>
    %dma_start3A_49 = arith.constant 0 : i32
    %dma_start3A_50 = tpu.memref_slice %arg10[%dma_start3A_46, %dma_start3A_49] : memref<4x128xi32, #tpu.memory_space<vmem>> -> memref<1x128xi32, #tpu.memory_space<vmem>>
    %dma_start3A_51 = tpu.memref_squeeze %dma_start3A_50 : memref<1x128xi32, #tpu.memory_space<vmem>> -> memref<128xi32, #tpu.memory_space<vmem>>
    %dma_start3A_52 = arith.constant 0 : i32
    %dma_start3A_53 = tpu.memref_slice %arg6[%dma_start3A_45, %dma_start3A_52] : memref<1x1000001xf32, #tpu.memory_space<hbm>> -> memref<1x1000001xf32, #tpu.memory_space<hbm>>
    %dma_start3A_54 = tpu.memref_squeeze %dma_start3A_53 : memref<1x1000001xf32, #tpu.memory_space<hbm>> -> memref<1000001xf32, #tpu.memory_space<hbm>>
    %dma_start3A_55 = arith.constant 0 : i32
    %dma_start3A_56 = tpu.memref_slice %dma_start3A_54[%dma_start3A_55] : memref<1000001xf32, #tpu.memory_space<hbm>> -> memref<1000001xf32, #tpu.memory_space<hbm>>
    tpu.enqueue_indirect_dma source(%dma_start3A_56 : memref<1000001xf32, #tpu.memory_space<hbm>>) target(%dma_start3A_48 : memref<128xf32, #tpu.memory_space<vmem>>) offsets(%dma_start3A_51 : memref<128xi32, #tpu.memory_space<vmem>>) semaphore(%arg18 : memref<!tpu.dma_semaphore, #tpu.memory_space<semaphore_mem>>)
    %dma_start3A_57 = arith.constant 0 : i32
    %dma_start3A_58 = arith.constant 0 : i32
    %dma_start3A_59 = arith.constant 0 : i32
    %dma_start3A_60 = tpu.memref_slice %arg15[%dma_start3A_59] : memref<512xf32, #tpu.memory_space<vmem>> -> memref<128xf32, #tpu.memory_space<vmem>>
    %dma_start3A_61 = arith.constant 0 : i32
    %dma_start3A_62 = tpu.memref_slice %arg11[%dma_start3A_58, %dma_start3A_61] : memref<4x128xi32, #tpu.memory_space<vmem>> -> memref<1x128xi32, #tpu.memory_space<vmem>>
    %dma_start3A_63 = tpu.memref_squeeze %dma_start3A_62 : memref<1x128xi32, #tpu.memory_space<vmem>> -> memref<128xi32, #tpu.memory_space<vmem>>
    %dma_start3A_64 = arith.constant 0 : i32
    %dma_start3A_65 = tpu.memref_slice %arg7[%dma_start3A_57, %dma_start3A_64] : memref<1x1000001xf32, #tpu.memory_space<hbm>> -> memref<1x1000001xf32, #tpu.memory_space<hbm>>
    %dma_start3A_66 = tpu.memref_squeeze %dma_start3A_65 : memref<1x1000001xf32, #tpu.memory_space<hbm>> -> memref<1000001xf32, #tpu.memory_space<hbm>>
    %dma_start3A_67 = arith.constant 0 : i32
    %dma_start3A_68 = tpu.memref_slice %dma_start3A_66[%dma_start3A_67] : memref<1000001xf32, #tpu.memory_space<hbm>> -> memref<1000001xf32, #tpu.memory_space<hbm>>
    tpu.enqueue_indirect_dma source(%dma_start3A_68 : memref<1000001xf32, #tpu.memory_space<hbm>>) target(%dma_start3A_60 : memref<128xf32, #tpu.memory_space<vmem>>) offsets(%dma_start3A_63 : memref<128xi32, #tpu.memory_space<vmem>>) semaphore(%arg18 : memref<!tpu.dma_semaphore, #tpu.memory_space<semaphore_mem>>)
    %dma_start3A_69 = arith.constant 1 : i32
    %dma_start3A_70 = arith.constant 128 : i32
    %dma_start3A_71 = arith.constant 0 : i32
    %dma_start3A_72 = tpu.memref_slice %arg12[%dma_start3A_70, %dma_start3A_71] : memref<512x32xf32, #tpu.memory_space<vmem>> -> memref<128x32xf32, #tpu.memory_space<vmem>>
    %dma_start3A_73 = arith.constant 0 : i32
    %dma_start3A_74 = tpu.memref_slice %arg10[%dma_start3A_69, %dma_start3A_73] : memref<4x128xi32, #tpu.memory_space<vmem>> -> memref<1x128xi32, #tpu.memory_space<vmem>>
    %dma_start3A_75 = tpu.memref_squeeze %dma_start3A_74 : memref<1x128xi32, #tpu.memory_space<vmem>> -> memref<128xi32, #tpu.memory_space<vmem>>
    %dma_start3A_76 = arith.constant 0 : i32
    %dma_start3A_77 = arith.constant 0 : i32
    %dma_start3A_78 = tpu.memref_slice %arg4[%dma_start3A_76, %dma_start3A_77] : memref<1000001x32xf32, #tpu.memory_space<hbm>> -> memref<1000001x32xf32, #tpu.memory_space<hbm>>
    tpu.enqueue_indirect_dma source(%dma_start3A_78 : memref<1000001x32xf32, #tpu.memory_space<hbm>>) target(%dma_start3A_72 : memref<128x32xf32, #tpu.memory_space<vmem>>) offsets(%dma_start3A_75 : memref<128xi32, #tpu.memory_space<vmem>>) semaphore(%arg18 : memref<!tpu.dma_semaphore, #tpu.memory_space<semaphore_mem>>)
    %dma_start3A_79 = arith.constant 1 : i32
    %dma_start3A_80 = arith.constant 128 : i32
    %dma_start3A_81 = arith.constant 0 : i32
    %dma_start3A_82 = tpu.memref_slice %arg13[%dma_start3A_80, %dma_start3A_81] : memref<512x32xf32, #tpu.memory_space<vmem>> -> memref<128x32xf32, #tpu.memory_space<vmem>>
    %dma_start3A_83 = arith.constant 0 : i32
    %dma_start3A_84 = tpu.memref_slice %arg11[%dma_start3A_79, %dma_start3A_83] : memref<4x128xi32, #tpu.memory_space<vmem>> -> memref<1x128xi32, #tpu.memory_space<vmem>>
    %dma_start3A_85 = tpu.memref_squeeze %dma_start3A_84 : memref<1x128xi32, #tpu.memory_space<vmem>> -> memref<128xi32, #tpu.memory_space<vmem>>
    %dma_start3A_86 = arith.constant 0 : i32
    %dma_start3A_87 = arith.constant 0 : i32
    %dma_start3A_88 = tpu.memref_slice %arg5[%dma_start3A_86, %dma_start3A_87] : memref<1000001x32xf32, #tpu.memory_space<hbm>> -> memref<1000001x32xf32, #tpu.memory_space<hbm>>
    tpu.enqueue_indirect_dma source(%dma_start3A_88 : memref<1000001x32xf32, #tpu.memory_space<hbm>>) target(%dma_start3A_82 : memref<128x32xf32, #tpu.memory_space<vmem>>) offsets(%dma_start3A_85 : memref<128xi32, #tpu.memory_space<vmem>>) semaphore(%arg18 : memref<!tpu.dma_semaphore, #tpu.memory_space<semaphore_mem>>)
    %dma_start3A_89 = arith.constant 0 : i32
    %dma_start3A_90 = arith.constant 1 : i32
    %dma_start3A_91 = arith.constant 128 : i32
    %dma_start3A_92 = tpu.memref_slice %arg14[%dma_start3A_91] : memref<512xf32, #tpu.memory_space<vmem>> -> memref<128xf32, #tpu.memory_space<vmem>>
    %dma_start3A_93 = arith.constant 0 : i32
    %dma_start3A_94 = tpu.memref_slice %arg10[%dma_start3A_90, %dma_start3A_93] : memref<4x128xi32, #tpu.memory_space<vmem>> -> memref<1x128xi32, #tpu.memory_space<vmem>>
    %dma_start3A_95 = tpu.memref_squeeze %dma_start3A_94 : memref<1x128xi32, #tpu.memory_space<vmem>> -> memref<128xi32, #tpu.memory_space<vmem>>
    %dma_start3A_96 = arith.constant 0 : i32
    %dma_start3A_97 = tpu.memref_slice %arg6[%dma_start3A_89, %dma_start3A_96] : memref<1x1000001xf32, #tpu.memory_space<hbm>> -> memref<1x1000001xf32, #tpu.memory_space<hbm>>
    %dma_start3A_98 = tpu.memref_squeeze %dma_start3A_97 : memref<1x1000001xf32, #tpu.memory_space<hbm>> -> memref<1000001xf32, #tpu.memory_space<hbm>>
    %dma_start3A_99 = arith.constant 0 : i32
    %dma_start3A_100 = tpu.memref_slice %dma_start3A_98[%dma_start3A_99] : memref<1000001xf32, #tpu.memory_space<hbm>> -> memref<1000001xf32, #tpu.memory_space<hbm>>
    tpu.enqueue_indirect_dma source(%dma_start3A_100 : memref<1000001xf32, #tpu.memory_space<hbm>>) target(%dma_start3A_92 : memref<128xf32, #tpu.memory_space<vmem>>) offsets(%dma_start3A_95 : memref<128xi32, #tpu.memory_space<vmem>>) semaphore(%arg18 : memref<!tpu.dma_semaphore, #tpu.memory_space<semaphore_mem>>)
    %dma_start3A_101 = arith.constant 0 : i32
    %dma_start3A_102 = arith.constant 1 : i32
    %dma_start3A_103 = arith.constant 128 : i32
    %dma_start3A_104 = tpu.memref_slice %arg15[%dma_start3A_103] : memref<512xf32, #tpu.memory_space<vmem>> -> memref<128xf32, #tpu.memory_space<vmem>>
    %dma_start3A_105 = arith.constant 0 : i32
    %dma_start3A_106 = tpu.memref_slice %arg11[%dma_start3A_102, %dma_start3A_105] : memref<4x128xi32, #tpu.memory_space<vmem>> -> memref<1x128xi32, #tpu.memory_space<vmem>>
    %dma_start3A_107 = tpu.memref_squeeze %dma_start3A_106 : memref<1x128xi32, #tpu.memory_space<vmem>> -> memref<128xi32, #tpu.memory_space<vmem>>
    %dma_start3A_108 = arith.constant 0 : i32
    %dma_start3A_109 = tpu.memref_slice %arg7[%dma_start3A_101, %dma_start3A_108] : memref<1x1000001xf32, #tpu.memory_space<hbm>> -> memref<1x1000001xf32, #tpu.memory_space<hbm>>
    %dma_start3A_110 = tpu.memref_squeeze %dma_start3A_109 : memref<1x1000001xf32, #tpu.memory_space<hbm>> -> memref<1000001xf32, #tpu.memory_space<hbm>>
    %dma_start3A_111 = arith.constant 0 : i32
    %dma_start3A_112 = tpu.memref_slice %dma_start3A_110[%dma_start3A_111] : memref<1000001xf32, #tpu.memory_space<hbm>> -> memref<1000001xf32, #tpu.memory_space<hbm>>
    tpu.enqueue_indirect_dma source(%dma_start3A_112 : memref<1000001xf32, #tpu.memory_space<hbm>>) target(%dma_start3A_104 : memref<128xf32, #tpu.memory_space<vmem>>) offsets(%dma_start3A_107 : memref<128xi32, #tpu.memory_space<vmem>>) semaphore(%arg18 : memref<!tpu.dma_semaphore, #tpu.memory_space<semaphore_mem>>)
    %dma_start3A_113 = arith.constant 2 : i32
    %dma_start3A_114 = arith.constant 256 : i32
    %dma_start3A_115 = arith.constant 0 : i32
    %dma_start3A_116 = tpu.memref_slice %arg12[%dma_start3A_114, %dma_start3A_115] : memref<512x32xf32, #tpu.memory_space<vmem>> -> memref<128x32xf32, #tpu.memory_space<vmem>>
    %dma_start3A_117 = arith.constant 0 : i32
    %dma_start3A_118 = tpu.memref_slice %arg10[%dma_start3A_113, %dma_start3A_117] : memref<4x128xi32, #tpu.memory_space<vmem>> -> memref<1x128xi32, #tpu.memory_space<vmem>>
    %dma_start3A_119 = tpu.memref_squeeze %dma_start3A_118 : memref<1x128xi32, #tpu.memory_space<vmem>> -> memref<128xi32, #tpu.memory_space<vmem>>
    %dma_start3A_120 = arith.constant 0 : i32
    %dma_start3A_121 = arith.constant 0 : i32
    %dma_start3A_122 = tpu.memref_slice %arg4[%dma_start3A_120, %dma_start3A_121] : memref<1000001x32xf32, #tpu.memory_space<hbm>> -> memref<1000001x32xf32, #tpu.memory_space<hbm>>
    tpu.enqueue_indirect_dma source(%dma_start3A_122 : memref<1000001x32xf32, #tpu.memory_space<hbm>>) target(%dma_start3A_116 : memref<128x32xf32, #tpu.memory_space<vmem>>) offsets(%dma_start3A_119 : memref<128xi32, #tpu.memory_space<vmem>>) semaphore(%arg18 : memref<!tpu.dma_semaphore, #tpu.memory_space<semaphore_mem>>)
    %dma_start3A_123 = arith.constant 2 : i32
    %dma_start3A_124 = arith.constant 256 : i32
    %dma_start3A_125 = arith.constant 0 : i32
    %dma_start3A_126 = tpu.memref_slice %arg13[%dma_start3A_124, %dma_start3A_125] : memref<512x32xf32, #tpu.memory_space<vmem>> -> memref<128x32xf32, #tpu.memory_space<vmem>>
    %dma_start3A_127 = arith.constant 0 : i32
    %dma_start3A_128 = tpu.memref_slice %arg11[%dma_start3A_123, %dma_start3A_127] : memref<4x128xi32, #tpu.memory_space<vmem>> -> memref<1x128xi32, #tpu.memory_space<vmem>>
    %dma_start3A_129 = tpu.memref_squeeze %dma_start3A_128 : memref<1x128xi32, #tpu.memory_space<vmem>> -> memref<128xi32, #tpu.memory_space<vmem>>
    %dma_start3A_130 = arith.constant 0 : i32
    %dma_start3A_131 = arith.constant 0 : i32
    %dma_start3A_132 = tpu.memref_slice %arg5[%dma_start3A_130, %dma_start3A_131] : memref<1000001x32xf32, #tpu.memory_space<hbm>> -> memref<1000001x32xf32, #tpu.memory_space<hbm>>
    tpu.enqueue_indirect_dma source(%dma_start3A_132 : memref<1000001x32xf32, #tpu.memory_space<hbm>>) target(%dma_start3A_126 : memref<128x32xf32, #tpu.memory_space<vmem>>) offsets(%dma_start3A_129 : memref<128xi32, #tpu.memory_space<vmem>>) semaphore(%arg18 : memref<!tpu.dma_semaphore, #tpu.memory_space<semaphore_mem>>)
    %dma_start3A_133 = arith.constant 0 : i32
    %dma_start3A_134 = arith.constant 2 : i32
    %dma_start3A_135 = arith.constant 256 : i32
    %dma_start3A_136 = tpu.memref_slice %arg14[%dma_start3A_135] : memref<512xf32, #tpu.memory_space<vmem>> -> memref<128xf32, #tpu.memory_space<vmem>>
    %dma_start3A_137 = arith.constant 0 : i32
    %dma_start3A_138 = tpu.memref_slice %arg10[%dma_start3A_134, %dma_start3A_137] : memref<4x128xi32, #tpu.memory_space<vmem>> -> memref<1x128xi32, #tpu.memory_space<vmem>>
    %dma_start3A_139 = tpu.memref_squeeze %dma_start3A_138 : memref<1x128xi32, #tpu.memory_space<vmem>> -> memref<128xi32, #tpu.memory_space<vmem>>
    %dma_start3A_140 = arith.constant 0 : i32
    %dma_start3A_141 = tpu.memref_slice %arg6[%dma_start3A_133, %dma_start3A_140] : memref<1x1000001xf32, #tpu.memory_space<hbm>> -> memref<1x1000001xf32, #tpu.memory_space<hbm>>
    %dma_start3A_142 = tpu.memref_squeeze %dma_start3A_141 : memref<1x1000001xf32, #tpu.memory_space<hbm>> -> memref<1000001xf32, #tpu.memory_space<hbm>>
    %dma_start3A_143 = arith.constant 0 : i32
    %dma_start3A_144 = tpu.memref_slice %dma_start3A_142[%dma_start3A_143] : memref<1000001xf32, #tpu.memory_space<hbm>> -> memref<1000001xf32, #tpu.memory_space<hbm>>
    tpu.enqueue_indirect_dma source(%dma_start3A_144 : memref<1000001xf32, #tpu.memory_space<hbm>>) target(%dma_start3A_136 : memref<128xf32, #tpu.memory_space<vmem>>) offsets(%dma_start3A_139 : memref<128xi32, #tpu.memory_space<vmem>>) semaphore(%arg18 : memref<!tpu.dma_semaphore, #tpu.memory_space<semaphore_mem>>)
    %dma_start3A_145 = arith.constant 0 : i32
    %dma_start3A_146 = arith.constant 2 : i32
    %dma_start3A_147 = arith.constant 256 : i32
    %dma_start3A_148 = tpu.memref_slice %arg15[%dma_start3A_147] : memref<512xf32, #tpu.memory_space<vmem>> -> memref<128xf32, #tpu.memory_space<vmem>>
    %dma_start3A_149 = arith.constant 0 : i32
    %dma_start3A_150 = tpu.memref_slice %arg11[%dma_start3A_146, %dma_start3A_149] : memref<4x128xi32, #tpu.memory_space<vmem>> -> memref<1x128xi32, #tpu.memory_space<vmem>>
    %dma_start3A_151 = tpu.memref_squeeze %dma_start3A_150 : memref<1x128xi32, #tpu.memory_space<vmem>> -> memref<128xi32, #tpu.memory_space<vmem>>
    %dma_start3A_152 = arith.constant 0 : i32
    %dma_start3A_153 = tpu.memref_slice %arg7[%dma_start3A_145, %dma_start3A_152] : memref<1x1000001xf32, #tpu.memory_space<hbm>> -> memref<1x1000001xf32, #tpu.memory_space<hbm>>
    %dma_start3A_154 = tpu.memref_squeeze %dma_start3A_153 : memref<1x1000001xf32, #tpu.memory_space<hbm>> -> memref<1000001xf32, #tpu.memory_space<hbm>>
    %dma_start3A_155 = arith.constant 0 : i32
    %dma_start3A_156 = tpu.memref_slice %dma_start3A_154[%dma_start3A_155] : memref<1000001xf32, #tpu.memory_space<hbm>> -> memref<1000001xf32, #tpu.memory_space<hbm>>
    tpu.enqueue_indirect_dma source(%dma_start3A_156 : memref<1000001xf32, #tpu.memory_space<hbm>>) target(%dma_start3A_148 : memref<128xf32, #tpu.memory_space<vmem>>) offsets(%dma_start3A_151 : memref<128xi32, #tpu.memory_space<vmem>>) semaphore(%arg18 : memref<!tpu.dma_semaphore, #tpu.memory_space<semaphore_mem>>)
    %dma_start3A_157 = arith.constant 3 : i32
    %dma_start3A_158 = arith.constant 384 : i32
    %dma_start3A_159 = arith.constant 0 : i32
    %dma_start3A_160 = tpu.memref_slice %arg12[%dma_start3A_158, %dma_start3A_159] : memref<512x32xf32, #tpu.memory_space<vmem>> -> memref<128x32xf32, #tpu.memory_space<vmem>>
    %dma_start3A_161 = arith.constant 0 : i32
    %dma_start3A_162 = tpu.memref_slice %arg10[%dma_start3A_157, %dma_start3A_161] : memref<4x128xi32, #tpu.memory_space<vmem>> -> memref<1x128xi32, #tpu.memory_space<vmem>>
    %dma_start3A_163 = tpu.memref_squeeze %dma_start3A_162 : memref<1x128xi32, #tpu.memory_space<vmem>> -> memref<128xi32, #tpu.memory_space<vmem>>
    %dma_start3A_164 = arith.constant 0 : i32
    %dma_start3A_165 = arith.constant 0 : i32
    %dma_start3A_166 = tpu.memref_slice %arg4[%dma_start3A_164, %dma_start3A_165] : memref<1000001x32xf32, #tpu.memory_space<hbm>> -> memref<1000001x32xf32, #tpu.memory_space<hbm>>
    tpu.enqueue_indirect_dma source(%dma_start3A_166 : memref<1000001x32xf32, #tpu.memory_space<hbm>>) target(%dma_start3A_160 : memref<128x32xf32, #tpu.memory_space<vmem>>) offsets(%dma_start3A_163 : memref<128xi32, #tpu.memory_space<vmem>>) semaphore(%arg18 : memref<!tpu.dma_semaphore, #tpu.memory_space<semaphore_mem>>)
    %dma_start3A_167 = arith.constant 3 : i32
    %dma_start3A_168 = arith.constant 384 : i32
    %dma_start3A_169 = arith.constant 0 : i32
    %dma_start3A_170 = tpu.memref_slice %arg13[%dma_start3A_168, %dma_start3A_169] : memref<512x32xf32, #tpu.memory_space<vmem>> -> memref<128x32xf32, #tpu.memory_space<vmem>>
    %dma_start3A_171 = arith.constant 0 : i32
    %dma_start3A_172 = tpu.memref_slice %arg11[%dma_start3A_167, %dma_start3A_171] : memref<4x128xi32, #tpu.memory_space<vmem>> -> memref<1x128xi32, #tpu.memory_space<vmem>>
    %dma_start3A_173 = tpu.memref_squeeze %dma_start3A_172 : memref<1x128xi32, #tpu.memory_space<vmem>> -> memref<128xi32, #tpu.memory_space<vmem>>
    %dma_start3A_174 = arith.constant 0 : i32
    %dma_start3A_175 = arith.constant 0 : i32
    %dma_start3A_176 = tpu.memref_slice %arg5[%dma_start3A_174, %dma_start3A_175] : memref<1000001x32xf32, #tpu.memory_space<hbm>> -> memref<1000001x32xf32, #tpu.memory_space<hbm>>
    tpu.enqueue_indirect_dma source(%dma_start3A_176 : memref<1000001x32xf32, #tpu.memory_space<hbm>>) target(%dma_start3A_170 : memref<128x32xf32, #tpu.memory_space<vmem>>) offsets(%dma_start3A_173 : memref<128xi32, #tpu.memory_space<vmem>>) semaphore(%arg18 : memref<!tpu.dma_semaphore, #tpu.memory_space<semaphore_mem>>)
    %dma_start3A_177 = arith.constant 0 : i32
    %dma_start3A_178 = arith.constant 3 : i32
    %dma_start3A_179 = arith.constant 384 : i32
    %dma_start3A_180 = tpu.memref_slice %arg14[%dma_start3A_179] : memref<512xf32, #tpu.memory_space<vmem>> -> memref<128xf32, #tpu.memory_space<vmem>>
    %dma_start3A_181 = arith.constant 0 : i32
    %dma_start3A_182 = tpu.memref_slice %arg10[%dma_start3A_178, %dma_start3A_181] : memref<4x128xi32, #tpu.memory_space<vmem>> -> memref<1x128xi32, #tpu.memory_space<vmem>>
    %dma_start3A_183 = tpu.memref_squeeze %dma_start3A_182 : memref<1x128xi32, #tpu.memory_space<vmem>> -> memref<128xi32, #tpu.memory_space<vmem>>
    %dma_start3A_184 = arith.constant 0 : i32
    %dma_start3A_185 = tpu.memref_slice %arg6[%dma_start3A_177, %dma_start3A_184] : memref<1x1000001xf32, #tpu.memory_space<hbm>> -> memref<1x1000001xf32, #tpu.memory_space<hbm>>
    %dma_start3A_186 = tpu.memref_squeeze %dma_start3A_185 : memref<1x1000001xf32, #tpu.memory_space<hbm>> -> memref<1000001xf32, #tpu.memory_space<hbm>>
    %dma_start3A_187 = arith.constant 0 : i32
    %dma_start3A_188 = tpu.memref_slice %dma_start3A_186[%dma_start3A_187] : memref<1000001xf32, #tpu.memory_space<hbm>> -> memref<1000001xf32, #tpu.memory_space<hbm>>
    tpu.enqueue_indirect_dma source(%dma_start3A_188 : memref<1000001xf32, #tpu.memory_space<hbm>>) target(%dma_start3A_180 : memref<128xf32, #tpu.memory_space<vmem>>) offsets(%dma_start3A_183 : memref<128xi32, #tpu.memory_space<vmem>>) semaphore(%arg18 : memref<!tpu.dma_semaphore, #tpu.memory_space<semaphore_mem>>)
    %dma_start3A_189 = arith.constant 0 : i32
    %dma_start3A_190 = arith.constant 3 : i32
    %dma_start3A_191 = arith.constant 384 : i32
    %dma_start3A_192 = tpu.memref_slice %arg15[%dma_start3A_191] : memref<512xf32, #tpu.memory_space<vmem>> -> memref<128xf32, #tpu.memory_space<vmem>>
    %dma_start3A_193 = arith.constant 0 : i32
    %dma_start3A_194 = tpu.memref_slice %arg11[%dma_start3A_190, %dma_start3A_193] : memref<4x128xi32, #tpu.memory_space<vmem>> -> memref<1x128xi32, #tpu.memory_space<vmem>>
    %dma_start3A_195 = tpu.memref_squeeze %dma_start3A_194 : memref<1x128xi32, #tpu.memory_space<vmem>> -> memref<128xi32, #tpu.memory_space<vmem>>
    %dma_start3A_196 = arith.constant 0 : i32
    %dma_start3A_197 = tpu.memref_slice %arg7[%dma_start3A_189, %dma_start3A_196] : memref<1x1000001xf32, #tpu.memory_space<hbm>> -> memref<1x1000001xf32, #tpu.memory_space<hbm>>
    %dma_start3A_198 = tpu.memref_squeeze %dma_start3A_197 : memref<1x1000001xf32, #tpu.memory_space<hbm>> -> memref<1000001xf32, #tpu.memory_space<hbm>>
    %dma_start3A_199 = arith.constant 0 : i32
    %dma_start3A_200 = tpu.memref_slice %dma_start3A_198[%dma_start3A_199] : memref<1000001xf32, #tpu.memory_space<hbm>> -> memref<1000001xf32, #tpu.memory_space<hbm>>
    tpu.enqueue_indirect_dma source(%dma_start3A_200 : memref<1000001xf32, #tpu.memory_space<hbm>>) target(%dma_start3A_192 : memref<128xf32, #tpu.memory_space<vmem>>) offsets(%dma_start3A_195 : memref<128xi32, #tpu.memory_space<vmem>>) semaphore(%arg18 : memref<!tpu.dma_semaphore, #tpu.memory_space<semaphore_mem>>)
    %dma_wait3A = arith.constant 0 : i32
    %dma_wait3A_201 = arith.constant 0 : i32
    %dma_wait3A_202 = arith.constant 0 : i32
    %dma_wait3A_203 = tpu.memref_slice %arg12[%dma_wait3A_201, %dma_wait3A_202] : memref<512x32xf32, #tpu.memory_space<vmem>> -> memref<128x32xf32, #tpu.memory_space<vmem>>
    %dma_wait3A_204 = arith.constant 0 : i32
    %dma_wait3A_205 = tpu.memref_slice %arg10[%dma_wait3A, %dma_wait3A_204] : memref<4x128xi32, #tpu.memory_space<vmem>> -> memref<1x128xi32, #tpu.memory_space<vmem>>
    %dma_wait3A_206 = tpu.memref_squeeze %dma_wait3A_205 : memref<1x128xi32, #tpu.memory_space<vmem>> -> memref<128xi32, #tpu.memory_space<vmem>>
    %dma_wait3A_207 = arith.constant 0 : i32
    %dma_wait3A_208 = arith.constant 0 : i32
    %dma_wait3A_209 = tpu.memref_slice %arg4[%dma_wait3A_207, %dma_wait3A_208] : memref<1000001x32xf32, #tpu.memory_space<hbm>> -> memref<1000001x32xf32, #tpu.memory_space<hbm>>
    tpu.wait_indirect_dma semaphore(%arg18 : memref<!tpu.dma_semaphore, #tpu.memory_space<semaphore_mem>>) src(%dma_wait3A_209 : memref<1000001x32xf32, #tpu.memory_space<hbm>>) dst(%dma_wait3A_203 : memref<128x32xf32, #tpu.memory_space<vmem>>)
    %dma_wait3A_210 = arith.constant 0 : i32
    %dma_wait3A_211 = arith.constant 0 : i32
    %dma_wait3A_212 = arith.constant 0 : i32
    %dma_wait3A_213 = tpu.memref_slice %arg13[%dma_wait3A_211, %dma_wait3A_212] : memref<512x32xf32, #tpu.memory_space<vmem>> -> memref<128x32xf32, #tpu.memory_space<vmem>>
    %dma_wait3A_214 = arith.constant 0 : i32
    %dma_wait3A_215 = tpu.memref_slice %arg11[%dma_wait3A_210, %dma_wait3A_214] : memref<4x128xi32, #tpu.memory_space<vmem>> -> memref<1x128xi32, #tpu.memory_space<vmem>>
    %dma_wait3A_216 = tpu.memref_squeeze %dma_wait3A_215 : memref<1x128xi32, #tpu.memory_space<vmem>> -> memref<128xi32, #tpu.memory_space<vmem>>
    %dma_wait3A_217 = arith.constant 0 : i32
    %dma_wait3A_218 = arith.constant 0 : i32
    %dma_wait3A_219 = tpu.memref_slice %arg5[%dma_wait3A_217, %dma_wait3A_218] : memref<1000001x32xf32, #tpu.memory_space<hbm>> -> memref<1000001x32xf32, #tpu.memory_space<hbm>>
    tpu.wait_indirect_dma semaphore(%arg18 : memref<!tpu.dma_semaphore, #tpu.memory_space<semaphore_mem>>) src(%dma_wait3A_219 : memref<1000001x32xf32, #tpu.memory_space<hbm>>) dst(%dma_wait3A_213 : memref<128x32xf32, #tpu.memory_space<vmem>>)
    %dma_wait3A_220 = arith.constant 0 : i32
    %dma_wait3A_221 = arith.constant 0 : i32
    %dma_wait3A_222 = arith.constant 0 : i32
    %dma_wait3A_223 = tpu.memref_slice %arg14[%dma_wait3A_222] : memref<512xf32, #tpu.memory_space<vmem>> -> memref<128xf32, #tpu.memory_space<vmem>>
    %dma_wait3A_224 = arith.constant 0 : i32
    %dma_wait3A_225 = tpu.memref_slice %arg10[%dma_wait3A_221, %dma_wait3A_224] : memref<4x128xi32, #tpu.memory_space<vmem>> -> memref<1x128xi32, #tpu.memory_space<vmem>>
    %dma_wait3A_226 = tpu.memref_squeeze %dma_wait3A_225 : memref<1x128xi32, #tpu.memory_space<vmem>> -> memref<128xi32, #tpu.memory_space<vmem>>
    %dma_wait3A_227 = arith.constant 0 : i32
    %dma_wait3A_228 = tpu.memref_slice %arg6[%dma_wait3A_220, %dma_wait3A_227] : memref<1x1000001xf32, #tpu.memory_space<hbm>> -> memref<1x1000001xf32, #tpu.memory_space<hbm>>
    %dma_wait3A_229 = tpu.memref_squeeze %dma_wait3A_228 : memref<1x1000001xf32, #tpu.memory_space<hbm>> -> memref<1000001xf32, #tpu.memory_space<hbm>>
    %dma_wait3A_230 = arith.constant 0 : i32
    %dma_wait3A_231 = tpu.memref_slice %dma_wait3A_229[%dma_wait3A_230] : memref<1000001xf32, #tpu.memory_space<hbm>> -> memref<1000001xf32, #tpu.memory_space<hbm>>
    tpu.wait_indirect_dma semaphore(%arg18 : memref<!tpu.dma_semaphore, #tpu.memory_space<semaphore_mem>>) src(%dma_wait3A_231 : memref<1000001xf32, #tpu.memory_space<hbm>>) dst(%dma_wait3A_223 : memref<128xf32, #tpu.memory_space<vmem>>)
    %dma_wait3A_232 = arith.constant 0 : i32
    %dma_wait3A_233 = arith.constant 0 : i32
    %dma_wait3A_234 = arith.constant 0 : i32
    %dma_wait3A_235 = tpu.memref_slice %arg15[%dma_wait3A_234] : memref<512xf32, #tpu.memory_space<vmem>> -> memref<128xf32, #tpu.memory_space<vmem>>
    %dma_wait3A_236 = arith.constant 0 : i32
    %dma_wait3A_237 = tpu.memref_slice %arg11[%dma_wait3A_233, %dma_wait3A_236] : memref<4x128xi32, #tpu.memory_space<vmem>> -> memref<1x128xi32, #tpu.memory_space<vmem>>
    %dma_wait3A_238 = tpu.memref_squeeze %dma_wait3A_237 : memref<1x128xi32, #tpu.memory_space<vmem>> -> memref<128xi32, #tpu.memory_space<vmem>>
    %dma_wait3A_239 = arith.constant 0 : i32
    %dma_wait3A_240 = tpu.memref_slice %arg7[%dma_wait3A_232, %dma_wait3A_239] : memref<1x1000001xf32, #tpu.memory_space<hbm>> -> memref<1x1000001xf32, #tpu.memory_space<hbm>>
    %dma_wait3A_241 = tpu.memref_squeeze %dma_wait3A_240 : memref<1x1000001xf32, #tpu.memory_space<hbm>> -> memref<1000001xf32, #tpu.memory_space<hbm>>
    %dma_wait3A_242 = arith.constant 0 : i32
    %dma_wait3A_243 = tpu.memref_slice %dma_wait3A_241[%dma_wait3A_242] : memref<1000001xf32, #tpu.memory_space<hbm>> -> memref<1000001xf32, #tpu.memory_space<hbm>>
    tpu.wait_indirect_dma semaphore(%arg18 : memref<!tpu.dma_semaphore, #tpu.memory_space<semaphore_mem>>) src(%dma_wait3A_243 : memref<1000001xf32, #tpu.memory_space<hbm>>) dst(%dma_wait3A_235 : memref<128xf32, #tpu.memory_space<vmem>>)
    %dma_wait3A_244 = arith.constant 1 : i32
    %dma_wait3A_245 = arith.constant 128 : i32
    %dma_wait3A_246 = arith.constant 0 : i32
    %dma_wait3A_247 = tpu.memref_slice %arg12[%dma_wait3A_245, %dma_wait3A_246] : memref<512x32xf32, #tpu.memory_space<vmem>> -> memref<128x32xf32, #tpu.memory_space<vmem>>
    %dma_wait3A_248 = arith.constant 0 : i32
    %dma_wait3A_249 = tpu.memref_slice %arg10[%dma_wait3A_244, %dma_wait3A_248] : memref<4x128xi32, #tpu.memory_space<vmem>> -> memref<1x128xi32, #tpu.memory_space<vmem>>
    %dma_wait3A_250 = tpu.memref_squeeze %dma_wait3A_249 : memref<1x128xi32, #tpu.memory_space<vmem>> -> memref<128xi32, #tpu.memory_space<vmem>>
    %dma_wait3A_251 = arith.constant 0 : i32
    %dma_wait3A_252 = arith.constant 0 : i32
    %dma_wait3A_253 = tpu.memref_slice %arg4[%dma_wait3A_251, %dma_wait3A_252] : memref<1000001x32xf32, #tpu.memory_space<hbm>> -> memref<1000001x32xf32, #tpu.memory_space<hbm>>
    tpu.wait_indirect_dma semaphore(%arg18 : memref<!tpu.dma_semaphore, #tpu.memory_space<semaphore_mem>>) src(%dma_wait3A_253 : memref<1000001x32xf32, #tpu.memory_space<hbm>>) dst(%dma_wait3A_247 : memref<128x32xf32, #tpu.memory_space<vmem>>)
    %dma_wait3A_254 = arith.constant 1 : i32
    %dma_wait3A_255 = arith.constant 128 : i32
    %dma_wait3A_256 = arith.constant 0 : i32
    %dma_wait3A_257 = tpu.memref_slice %arg13[%dma_wait3A_255, %dma_wait3A_256] : memref<512x32xf32, #tpu.memory_space<vmem>> -> memref<128x32xf32, #tpu.memory_space<vmem>>
    %dma_wait3A_258 = arith.constant 0 : i32
    %dma_wait3A_259 = tpu.memref_slice %arg11[%dma_wait3A_254, %dma_wait3A_258] : memref<4x128xi32, #tpu.memory_space<vmem>> -> memref<1x128xi32, #tpu.memory_space<vmem>>
    %dma_wait3A_260 = tpu.memref_squeeze %dma_wait3A_259 : memref<1x128xi32, #tpu.memory_space<vmem>> -> memref<128xi32, #tpu.memory_space<vmem>>
    %dma_wait3A_261 = arith.constant 0 : i32
    %dma_wait3A_262 = arith.constant 0 : i32
    %dma_wait3A_263 = tpu.memref_slice %arg5[%dma_wait3A_261, %dma_wait3A_262] : memref<1000001x32xf32, #tpu.memory_space<hbm>> -> memref<1000001x32xf32, #tpu.memory_space<hbm>>
    tpu.wait_indirect_dma semaphore(%arg18 : memref<!tpu.dma_semaphore, #tpu.memory_space<semaphore_mem>>) src(%dma_wait3A_263 : memref<1000001x32xf32, #tpu.memory_space<hbm>>) dst(%dma_wait3A_257 : memref<128x32xf32, #tpu.memory_space<vmem>>)
    %dma_wait3A_264 = arith.constant 0 : i32
    %dma_wait3A_265 = arith.constant 1 : i32
    %dma_wait3A_266 = arith.constant 128 : i32
    %dma_wait3A_267 = tpu.memref_slice %arg14[%dma_wait3A_266] : memref<512xf32, #tpu.memory_space<vmem>> -> memref<128xf32, #tpu.memory_space<vmem>>
    %dma_wait3A_268 = arith.constant 0 : i32
    %dma_wait3A_269 = tpu.memref_slice %arg10[%dma_wait3A_265, %dma_wait3A_268] : memref<4x128xi32, #tpu.memory_space<vmem>> -> memref<1x128xi32, #tpu.memory_space<vmem>>
    %dma_wait3A_270 = tpu.memref_squeeze %dma_wait3A_269 : memref<1x128xi32, #tpu.memory_space<vmem>> -> memref<128xi32, #tpu.memory_space<vmem>>
    %dma_wait3A_271 = arith.constant 0 : i32
    %dma_wait3A_272 = tpu.memref_slice %arg6[%dma_wait3A_264, %dma_wait3A_271] : memref<1x1000001xf32, #tpu.memory_space<hbm>> -> memref<1x1000001xf32, #tpu.memory_space<hbm>>
    %dma_wait3A_273 = tpu.memref_squeeze %dma_wait3A_272 : memref<1x1000001xf32, #tpu.memory_space<hbm>> -> memref<1000001xf32, #tpu.memory_space<hbm>>
    %dma_wait3A_274 = arith.constant 0 : i32
    %dma_wait3A_275 = tpu.memref_slice %dma_wait3A_273[%dma_wait3A_274] : memref<1000001xf32, #tpu.memory_space<hbm>> -> memref<1000001xf32, #tpu.memory_space<hbm>>
    tpu.wait_indirect_dma semaphore(%arg18 : memref<!tpu.dma_semaphore, #tpu.memory_space<semaphore_mem>>) src(%dma_wait3A_275 : memref<1000001xf32, #tpu.memory_space<hbm>>) dst(%dma_wait3A_267 : memref<128xf32, #tpu.memory_space<vmem>>)
    %dma_wait3A_276 = arith.constant 0 : i32
    %dma_wait3A_277 = arith.constant 1 : i32
    %dma_wait3A_278 = arith.constant 128 : i32
    %dma_wait3A_279 = tpu.memref_slice %arg15[%dma_wait3A_278] : memref<512xf32, #tpu.memory_space<vmem>> -> memref<128xf32, #tpu.memory_space<vmem>>
    %dma_wait3A_280 = arith.constant 0 : i32
    %dma_wait3A_281 = tpu.memref_slice %arg11[%dma_wait3A_277, %dma_wait3A_280] : memref<4x128xi32, #tpu.memory_space<vmem>> -> memref<1x128xi32, #tpu.memory_space<vmem>>
    %dma_wait3A_282 = tpu.memref_squeeze %dma_wait3A_281 : memref<1x128xi32, #tpu.memory_space<vmem>> -> memref<128xi32, #tpu.memory_space<vmem>>
    %dma_wait3A_283 = arith.constant 0 : i32
    %dma_wait3A_284 = tpu.memref_slice %arg7[%dma_wait3A_276, %dma_wait3A_283] : memref<1x1000001xf32, #tpu.memory_space<hbm>> -> memref<1x1000001xf32, #tpu.memory_space<hbm>>
    %dma_wait3A_285 = tpu.memref_squeeze %dma_wait3A_284 : memref<1x1000001xf32, #tpu.memory_space<hbm>> -> memref<1000001xf32, #tpu.memory_space<hbm>>
    %dma_wait3A_286 = arith.constant 0 : i32
    %dma_wait3A_287 = tpu.memref_slice %dma_wait3A_285[%dma_wait3A_286] : memref<1000001xf32, #tpu.memory_space<hbm>> -> memref<1000001xf32, #tpu.memory_space<hbm>>
    tpu.wait_indirect_dma semaphore(%arg18 : memref<!tpu.dma_semaphore, #tpu.memory_space<semaphore_mem>>) src(%dma_wait3A_287 : memref<1000001xf32, #tpu.memory_space<hbm>>) dst(%dma_wait3A_279 : memref<128xf32, #tpu.memory_space<vmem>>)
    %dma_wait3A_288 = arith.constant 2 : i32
    %dma_wait3A_289 = arith.constant 256 : i32
    %dma_wait3A_290 = arith.constant 0 : i32
    %dma_wait3A_291 = tpu.memref_slice %arg12[%dma_wait3A_289, %dma_wait3A_290] : memref<512x32xf32, #tpu.memory_space<vmem>> -> memref<128x32xf32, #tpu.memory_space<vmem>>
    %dma_wait3A_292 = arith.constant 0 : i32
    %dma_wait3A_293 = tpu.memref_slice %arg10[%dma_wait3A_288, %dma_wait3A_292] : memref<4x128xi32, #tpu.memory_space<vmem>> -> memref<1x128xi32, #tpu.memory_space<vmem>>
    %dma_wait3A_294 = tpu.memref_squeeze %dma_wait3A_293 : memref<1x128xi32, #tpu.memory_space<vmem>> -> memref<128xi32, #tpu.memory_space<vmem>>
    %dma_wait3A_295 = arith.constant 0 : i32
    %dma_wait3A_296 = arith.constant 0 : i32
    %dma_wait3A_297 = tpu.memref_slice %arg4[%dma_wait3A_295, %dma_wait3A_296] : memref<1000001x32xf32, #tpu.memory_space<hbm>> -> memref<1000001x32xf32, #tpu.memory_space<hbm>>
    tpu.wait_indirect_dma semaphore(%arg18 : memref<!tpu.dma_semaphore, #tpu.memory_space<semaphore_mem>>) src(%dma_wait3A_297 : memref<1000001x32xf32, #tpu.memory_space<hbm>>) dst(%dma_wait3A_291 : memref<128x32xf32, #tpu.memory_space<vmem>>)
    %dma_wait3A_298 = arith.constant 2 : i32
    %dma_wait3A_299 = arith.constant 256 : i32
    %dma_wait3A_300 = arith.constant 0 : i32
    %dma_wait3A_301 = tpu.memref_slice %arg13[%dma_wait3A_299, %dma_wait3A_300] : memref<512x32xf32, #tpu.memory_space<vmem>> -> memref<128x32xf32, #tpu.memory_space<vmem>>
    %dma_wait3A_302 = arith.constant 0 : i32
    %dma_wait3A_303 = tpu.memref_slice %arg11[%dma_wait3A_298, %dma_wait3A_302] : memref<4x128xi32, #tpu.memory_space<vmem>> -> memref<1x128xi32, #tpu.memory_space<vmem>>
    %dma_wait3A_304 = tpu.memref_squeeze %dma_wait3A_303 : memref<1x128xi32, #tpu.memory_space<vmem>> -> memref<128xi32, #tpu.memory_space<vmem>>
    %dma_wait3A_305 = arith.constant 0 : i32
    %dma_wait3A_306 = arith.constant 0 : i32
    %dma_wait3A_307 = tpu.memref_slice %arg5[%dma_wait3A_305, %dma_wait3A_306] : memref<1000001x32xf32, #tpu.memory_space<hbm>> -> memref<1000001x32xf32, #tpu.memory_space<hbm>>
    tpu.wait_indirect_dma semaphore(%arg18 : memref<!tpu.dma_semaphore, #tpu.memory_space<semaphore_mem>>) src(%dma_wait3A_307 : memref<1000001x32xf32, #tpu.memory_space<hbm>>) dst(%dma_wait3A_301 : memref<128x32xf32, #tpu.memory_space<vmem>>)
    %dma_wait3A_308 = arith.constant 0 : i32
    %dma_wait3A_309 = arith.constant 2 : i32
    %dma_wait3A_310 = arith.constant 256 : i32
    %dma_wait3A_311 = tpu.memref_slice %arg14[%dma_wait3A_310] : memref<512xf32, #tpu.memory_space<vmem>> -> memref<128xf32, #tpu.memory_space<vmem>>
    %dma_wait3A_312 = arith.constant 0 : i32
    %dma_wait3A_313 = tpu.memref_slice %arg10[%dma_wait3A_309, %dma_wait3A_312] : memref<4x128xi32, #tpu.memory_space<vmem>> -> memref<1x128xi32, #tpu.memory_space<vmem>>
    %dma_wait3A_314 = tpu.memref_squeeze %dma_wait3A_313 : memref<1x128xi32, #tpu.memory_space<vmem>> -> memref<128xi32, #tpu.memory_space<vmem>>
    %dma_wait3A_315 = arith.constant 0 : i32
    %dma_wait3A_316 = tpu.memref_slice %arg6[%dma_wait3A_308, %dma_wait3A_315] : memref<1x1000001xf32, #tpu.memory_space<hbm>> -> memref<1x1000001xf32, #tpu.memory_space<hbm>>
    %dma_wait3A_317 = tpu.memref_squeeze %dma_wait3A_316 : memref<1x1000001xf32, #tpu.memory_space<hbm>> -> memref<1000001xf32, #tpu.memory_space<hbm>>
    %dma_wait3A_318 = arith.constant 0 : i32
    %dma_wait3A_319 = tpu.memref_slice %dma_wait3A_317[%dma_wait3A_318] : memref<1000001xf32, #tpu.memory_space<hbm>> -> memref<1000001xf32, #tpu.memory_space<hbm>>
    tpu.wait_indirect_dma semaphore(%arg18 : memref<!tpu.dma_semaphore, #tpu.memory_space<semaphore_mem>>) src(%dma_wait3A_319 : memref<1000001xf32, #tpu.memory_space<hbm>>) dst(%dma_wait3A_311 : memref<128xf32, #tpu.memory_space<vmem>>)
    %dma_wait3A_320 = arith.constant 0 : i32
    %dma_wait3A_321 = arith.constant 2 : i32
    %dma_wait3A_322 = arith.constant 256 : i32
    %dma_wait3A_323 = tpu.memref_slice %arg15[%dma_wait3A_322] : memref<512xf32, #tpu.memory_space<vmem>> -> memref<128xf32, #tpu.memory_space<vmem>>
    %dma_wait3A_324 = arith.constant 0 : i32
    %dma_wait3A_325 = tpu.memref_slice %arg11[%dma_wait3A_321, %dma_wait3A_324] : memref<4x128xi32, #tpu.memory_space<vmem>> -> memref<1x128xi32, #tpu.memory_space<vmem>>
    %dma_wait3A_326 = tpu.memref_squeeze %dma_wait3A_325 : memref<1x128xi32, #tpu.memory_space<vmem>> -> memref<128xi32, #tpu.memory_space<vmem>>
    %dma_wait3A_327 = arith.constant 0 : i32
    %dma_wait3A_328 = tpu.memref_slice %arg7[%dma_wait3A_320, %dma_wait3A_327] : memref<1x1000001xf32, #tpu.memory_space<hbm>> -> memref<1x1000001xf32, #tpu.memory_space<hbm>>
    %dma_wait3A_329 = tpu.memref_squeeze %dma_wait3A_328 : memref<1x1000001xf32, #tpu.memory_space<hbm>> -> memref<1000001xf32, #tpu.memory_space<hbm>>
    %dma_wait3A_330 = arith.constant 0 : i32
    %dma_wait3A_331 = tpu.memref_slice %dma_wait3A_329[%dma_wait3A_330] : memref<1000001xf32, #tpu.memory_space<hbm>> -> memref<1000001xf32, #tpu.memory_space<hbm>>
    tpu.wait_indirect_dma semaphore(%arg18 : memref<!tpu.dma_semaphore, #tpu.memory_space<semaphore_mem>>) src(%dma_wait3A_331 : memref<1000001xf32, #tpu.memory_space<hbm>>) dst(%dma_wait3A_323 : memref<128xf32, #tpu.memory_space<vmem>>)
    %dma_wait3A_332 = arith.constant 3 : i32
    %dma_wait3A_333 = arith.constant 384 : i32
    %dma_wait3A_334 = arith.constant 0 : i32
    %dma_wait3A_335 = tpu.memref_slice %arg12[%dma_wait3A_333, %dma_wait3A_334] : memref<512x32xf32, #tpu.memory_space<vmem>> -> memref<128x32xf32, #tpu.memory_space<vmem>>
    %dma_wait3A_336 = arith.constant 0 : i32
    %dma_wait3A_337 = tpu.memref_slice %arg10[%dma_wait3A_332, %dma_wait3A_336] : memref<4x128xi32, #tpu.memory_space<vmem>> -> memref<1x128xi32, #tpu.memory_space<vmem>>
    %dma_wait3A_338 = tpu.memref_squeeze %dma_wait3A_337 : memref<1x128xi32, #tpu.memory_space<vmem>> -> memref<128xi32, #tpu.memory_space<vmem>>
    %dma_wait3A_339 = arith.constant 0 : i32
    %dma_wait3A_340 = arith.constant 0 : i32
    %dma_wait3A_341 = tpu.memref_slice %arg4[%dma_wait3A_339, %dma_wait3A_340] : memref<1000001x32xf32, #tpu.memory_space<hbm>> -> memref<1000001x32xf32, #tpu.memory_space<hbm>>
    tpu.wait_indirect_dma semaphore(%arg18 : memref<!tpu.dma_semaphore, #tpu.memory_space<semaphore_mem>>) src(%dma_wait3A_341 : memref<1000001x32xf32, #tpu.memory_space<hbm>>) dst(%dma_wait3A_335 : memref<128x32xf32, #tpu.memory_space<vmem>>)
    %dma_wait3A_342 = arith.constant 3 : i32
    %dma_wait3A_343 = arith.constant 384 : i32
    %dma_wait3A_344 = arith.constant 0 : i32
    %dma_wait3A_345 = tpu.memref_slice %arg13[%dma_wait3A_343, %dma_wait3A_344] : memref<512x32xf32, #tpu.memory_space<vmem>> -> memref<128x32xf32, #tpu.memory_space<vmem>>
    %dma_wait3A_346 = arith.constant 0 : i32
    %dma_wait3A_347 = tpu.memref_slice %arg11[%dma_wait3A_342, %dma_wait3A_346] : memref<4x128xi32, #tpu.memory_space<vmem>> -> memref<1x128xi32, #tpu.memory_space<vmem>>
    %dma_wait3A_348 = tpu.memref_squeeze %dma_wait3A_347 : memref<1x128xi32, #tpu.memory_space<vmem>> -> memref<128xi32, #tpu.memory_space<vmem>>
    %dma_wait3A_349 = arith.constant 0 : i32
    %dma_wait3A_350 = arith.constant 0 : i32
    %dma_wait3A_351 = tpu.memref_slice %arg5[%dma_wait3A_349, %dma_wait3A_350] : memref<1000001x32xf32, #tpu.memory_space<hbm>> -> memref<1000001x32xf32, #tpu.memory_space<hbm>>
    tpu.wait_indirect_dma semaphore(%arg18 : memref<!tpu.dma_semaphore, #tpu.memory_space<semaphore_mem>>) src(%dma_wait3A_351 : memref<1000001x32xf32, #tpu.memory_space<hbm>>) dst(%dma_wait3A_345 : memref<128x32xf32, #tpu.memory_space<vmem>>)
    %dma_wait3A_352 = arith.constant 0 : i32
    %dma_wait3A_353 = arith.constant 3 : i32
    %dma_wait3A_354 = arith.constant 384 : i32
    %dma_wait3A_355 = tpu.memref_slice %arg14[%dma_wait3A_354] : memref<512xf32, #tpu.memory_space<vmem>> -> memref<128xf32, #tpu.memory_space<vmem>>
    %dma_wait3A_356 = arith.constant 0 : i32
    %dma_wait3A_357 = tpu.memref_slice %arg10[%dma_wait3A_353, %dma_wait3A_356] : memref<4x128xi32, #tpu.memory_space<vmem>> -> memref<1x128xi32, #tpu.memory_space<vmem>>
    %dma_wait3A_358 = tpu.memref_squeeze %dma_wait3A_357 : memref<1x128xi32, #tpu.memory_space<vmem>> -> memref<128xi32, #tpu.memory_space<vmem>>
    %dma_wait3A_359 = arith.constant 0 : i32
    %dma_wait3A_360 = tpu.memref_slice %arg6[%dma_wait3A_352, %dma_wait3A_359] : memref<1x1000001xf32, #tpu.memory_space<hbm>> -> memref<1x1000001xf32, #tpu.memory_space<hbm>>
    %dma_wait3A_361 = tpu.memref_squeeze %dma_wait3A_360 : memref<1x1000001xf32, #tpu.memory_space<hbm>> -> memref<1000001xf32, #tpu.memory_space<hbm>>
    %dma_wait3A_362 = arith.constant 0 : i32
    %dma_wait3A_363 = tpu.memref_slice %dma_wait3A_361[%dma_wait3A_362] : memref<1000001xf32, #tpu.memory_space<hbm>> -> memref<1000001xf32, #tpu.memory_space<hbm>>
    tpu.wait_indirect_dma semaphore(%arg18 : memref<!tpu.dma_semaphore, #tpu.memory_space<semaphore_mem>>) src(%dma_wait3A_363 : memref<1000001xf32, #tpu.memory_space<hbm>>) dst(%dma_wait3A_355 : memref<128xf32, #tpu.memory_space<vmem>>)
    %dma_wait3A_364 = arith.constant 0 : i32
    %dma_wait3A_365 = arith.constant 3 : i32
    %dma_wait3A_366 = arith.constant 384 : i32
    %dma_wait3A_367 = tpu.memref_slice %arg15[%dma_wait3A_366] : memref<512xf32, #tpu.memory_space<vmem>> -> memref<128xf32, #tpu.memory_space<vmem>>
    %dma_wait3A_368 = arith.constant 0 : i32
    %dma_wait3A_369 = tpu.memref_slice %arg11[%dma_wait3A_365, %dma_wait3A_368] : memref<4x128xi32, #tpu.memory_space<vmem>> -> memref<1x128xi32, #tpu.memory_space<vmem>>
    %dma_wait3A_370 = tpu.memref_squeeze %dma_wait3A_369 : memref<1x128xi32, #tpu.memory_space<vmem>> -> memref<128xi32, #tpu.memory_space<vmem>>
    %dma_wait3A_371 = arith.constant 0 : i32
    %dma_wait3A_372 = tpu.memref_slice %arg7[%dma_wait3A_364, %dma_wait3A_371] : memref<1x1000001xf32, #tpu.memory_space<hbm>> -> memref<1x1000001xf32, #tpu.memory_space<hbm>>
    %dma_wait3A_373 = tpu.memref_squeeze %dma_wait3A_372 : memref<1x1000001xf32, #tpu.memory_space<hbm>> -> memref<1000001xf32, #tpu.memory_space<hbm>>
    %dma_wait3A_374 = arith.constant 0 : i32
    %dma_wait3A_375 = tpu.memref_slice %dma_wait3A_373[%dma_wait3A_374] : memref<1000001xf32, #tpu.memory_space<hbm>> -> memref<1000001xf32, #tpu.memory_space<hbm>>
    tpu.wait_indirect_dma semaphore(%arg18 : memref<!tpu.dma_semaphore, #tpu.memory_space<semaphore_mem>>) src(%dma_wait3A_375 : memref<1000001xf32, #tpu.memory_space<hbm>>) dst(%dma_wait3A_367 : memref<128xf32, #tpu.memory_space<vmem>>)
    %get3A = arith.constant 0 : index
    %get3A_376 = tpu.vector_load %arg16[%get3A] {strides = array<i32>} : memref<16xf32, #tpu.memory_space<vmem>>, vector<16xf32>,
    %get3A_377 = vector.shape_cast %get3A_376 : vector<16xf32> to vector<16xf32>
    %iota3A = tpu.iota {dimensions = array<i32: 0>} : vector<16xi32>
    %xor3A = arith.constant 1 : i32
    %xor3A_378 = vector.broadcast %xor3A : i32 to vector<16xi32>
    %xor3A_379 = arith.xori %iota3A, %xor3A_378 : vector<16xi32>
    %xor3A_380 = arith.constant 2 : i32
    %xor3A_381 = vector.broadcast %xor3A_380 : i32 to vector<16xi32>
    %xor3A_382 = arith.xori %iota3A, %xor3A_381 : vector<16xi32>
    %xor3A_383 = arith.constant 4 : i32
    %xor3A_384 = vector.broadcast %xor3A_383 : i32 to vector<16xi32>
    %xor3A_385 = arith.xori %iota3A, %xor3A_384 : vector<16xi32>
    %xor3A_386 = arith.constant 8 : i32
    %xor3A_387 = vector.broadcast %xor3A_386 : i32 to vector<16xi32>
    %xor3A_388 = arith.xori %iota3A, %xor3A_387 : vector<16xi32>
    %scan3A = arith.constant 0 : i32
    %scan3A_389 = arith.constant 0 : i32
    %scan3A_390 = arith.constant 32 : i32
    %scan3A_391 = arith.addi %scan3A_389, %scan3A_390 : i32
    %scan3A_392 = arith.constant 1 : i32
    scf.for %scan3A_394 = %scan3A_389 to %scan3A_391 step %scan3A_392  : i32 {
      %mul3A_395 = arith.constant 16 : i32
      %mul3A_396 = arith.muli %scan3A_394, %mul3A_395 : i32
      %broadcast_in_dim3A = arith.constant 0.000000e+00 : f32
      %broadcast_in_dim3A_397 = vector.broadcast %broadcast_in_dim3A : f32 to vector<16xf32>
      %add3A_398 = arith.constant 0 : i32
      %add3A_399 = arith.addi %mul3A_396, %add3A_398 : i32
      %get3A_400 = arith.index_cast %add3A_399 : i32 to index
      %get3A_401 = arith.constant 0 : index
      %get3A_402 = tpu.vector_load %arg12[%get3A_400, %get3A_401] {strides = array<i32>} : memref<512x32xf32, #tpu.memory_space<vmem>>, vector<1x16xf32>,
      %get3A_403 = vector.shape_cast %get3A_402 : vector<1x16xf32> to vector<16xf32>
      %get3A_404 = arith.index_cast %add3A_399 : i32 to index
      %get3A_405 = arith.constant 16 : index
      %get3A_406 = tpu.vector_load %arg12[%get3A_404, %get3A_405] {strides = array<i32>} : memref<512x32xf32, #tpu.memory_space<vmem>>, vector<1x16xf32>,
      %get3A_407 = vector.shape_cast %get3A_406 : vector<1x16xf32> to vector<16xf32>
      %get3A_408 = arith.index_cast %add3A_399 : i32 to index
      %get3A_409 = arith.constant 0 : index
      %get3A_410 = tpu.vector_load %arg13[%get3A_408, %get3A_409] {strides = array<i32>} : memref<512x32xf32, #tpu.memory_space<vmem>>, vector<1x16xf32>,
      %get3A_411 = vector.shape_cast %get3A_410 : vector<1x16xf32> to vector<16xf32>
      %get3A_412 = arith.index_cast %add3A_399 : i32 to index
      %get3A_413 = arith.constant 16 : index
      %get3A_414 = tpu.vector_load %arg13[%get3A_412, %get3A_413] {strides = array<i32>} : memref<512x32xf32, #tpu.memory_space<vmem>>, vector<1x16xf32>,
      %get3A_415 = vector.shape_cast %get3A_414 : vector<1x16xf32> to vector<16xf32>
      %mul3A_416 = arith.mulf %get3A_403, %get3A_411 : vector<16xf32>
      %mul3A_417 = arith.mulf %get3A_407, %get3A_415 : vector<16xf32>
      %add3A_418 = arith.addf %mul3A_416, %mul3A_417 : vector<16xf32>
      %broadcast_in_dim3A_419 = vector.shape_cast %xor3A_379 : vector<16xi32> to vector<16x1xi32>
      %gather3A = vector.shape_cast %broadcast_in_dim3A_419 : vector<16x1xi32> to vector<16xi32>
      %gather3A_420 = tpu.dynamic_gather %add3A_418[%gather3A] in [0] : vector<16xf32>, vector<16xi32> -> vector<16xf32>
      %add3A_421 = arith.addf %add3A_418, %gather3A_420 : vector<16xf32>
      %broadcast_in_dim3A_422 = vector.shape_cast %xor3A_382 : vector<16xi32> to vector<16x1xi32>
      %gather3A_423 = vector.shape_cast %broadcast_in_dim3A_422 : vector<16x1xi32> to vector<16xi32>
      %gather3A_424 = tpu.dynamic_gather %add3A_421[%gather3A_423] in [0] : vector<16xf32>, vector<16xi32> -> vector<16xf32>
      %add3A_425 = arith.addf %add3A_421, %gather3A_424 : vector<16xf32>
      %broadcast_in_dim3A_426 = vector.shape_cast %xor3A_385 : vector<16xi32> to vector<16x1xi32>
      %gather3A_427 = vector.shape_cast %broadcast_in_dim3A_426 : vector<16x1xi32> to vector<16xi32>
      %gather3A_428 = tpu.dynamic_gather %add3A_425[%gather3A_427] in [0] : vector<16xf32>, vector<16xi32> -> vector<16xf32>
      %add3A_429 = arith.addf %add3A_425, %gather3A_428 : vector<16xf32>
      %broadcast_in_dim3A_430 = vector.shape_cast %xor3A_388 : vector<16xi32> to vector<16x1xi32>
      %gather3A_431 = vector.shape_cast %broadcast_in_dim3A_430 : vector<16x1xi32> to vector<16xi32>
      %gather3A_432 = tpu.dynamic_gather %add3A_429[%gather3A_431] in [0] : vector<16xf32>, vector<16xi32> -> vector<16xf32>
      %add3A_433 = arith.addf %add3A_429, %gather3A_432 : vector<16xf32>
      %eq3A = arith.constant 0 : i32
      %eq3A_434 = vector.broadcast %eq3A : i32 to vector<16xi32>
      %eq3A_435 = arith.cmpi eq, %iota3A, %eq3A_434 : vector<16xi32>
      %select_n3A = arith.select %eq3A_435, %add3A_433, %broadcast_in_dim3A_397 : vector<16xi1>, vector<16xf32>
      %add3A_436 = arith.constant 1 : i32
      %add3A_437 = arith.addi %mul3A_396, %add3A_436 : i32
      %get3A_438 = arith.index_cast %add3A_437 : i32 to index
      %get3A_439 = arith.constant 0 : index
      %get3A_440 = tpu.vector_load %arg12[%get3A_438, %get3A_439] {strides = array<i32>} : memref<512x32xf32, #tpu.memory_space<vmem>>, vector<1x16xf32>,
      %get3A_441 = vector.shape_cast %get3A_440 : vector<1x16xf32> to vector<16xf32>
      %get3A_442 = arith.index_cast %add3A_437 : i32 to index
      %get3A_443 = arith.constant 16 : index
      %get3A_444 = tpu.vector_load %arg12[%get3A_442, %get3A_443] {strides = array<i32>} : memref<512x32xf32, #tpu.memory_space<vmem>>, vector<1x16xf32>,
      %get3A_445 = vector.shape_cast %get3A_444 : vector<1x16xf32> to vector<16xf32>
      %get3A_446 = arith.index_cast %add3A_437 : i32 to index
      %get3A_447 = arith.constant 0 : index
      %get3A_448 = tpu.vector_load %arg13[%get3A_446, %get3A_447] {strides = array<i32>} : memref<512x32xf32, #tpu.memory_space<vmem>>, vector<1x16xf32>,
      %get3A_449 = vector.shape_cast %get3A_448 : vector<1x16xf32> to vector<16xf32>
      %get3A_450 = arith.index_cast %add3A_437 : i32 to index
      %get3A_451 = arith.constant 16 : index
      %get3A_452 = tpu.vector_load %arg13[%get3A_450, %get3A_451] {strides = array<i32>} : memref<512x32xf32, #tpu.memory_space<vmem>>, vector<1x16xf32>,
      %get3A_453 = vector.shape_cast %get3A_452 : vector<1x16xf32> to vector<16xf32>
      %mul3A_454 = arith.mulf %get3A_441, %get3A_449 : vector<16xf32>
      %mul3A_455 = arith.mulf %get3A_445, %get3A_453 : vector<16xf32>
      %add3A_456 = arith.addf %mul3A_454, %mul3A_455 : vector<16xf32>
      %broadcast_in_dim3A_457 = vector.shape_cast %xor3A_379 : vector<16xi32> to vector<16x1xi32>
      %gather3A_458 = vector.shape_cast %broadcast_in_dim3A_457 : vector<16x1xi32> to vector<16xi32>
      %gather3A_459 = tpu.dynamic_gather %add3A_456[%gather3A_458] in [0] : vector<16xf32>, vector<16xi32> -> vector<16xf32>
      %add3A_460 = arith.addf %add3A_456, %gather3A_459 : vector<16xf32>
      %broadcast_in_dim3A_461 = vector.shape_cast %xor3A_382 : vector<16xi32> to vector<16x1xi32>
      %gather3A_462 = vector.shape_cast %broadcast_in_dim3A_461 : vector<16x1xi32> to vector<16xi32>
      %gather3A_463 = tpu.dynamic_gather %add3A_460[%gather3A_462] in [0] : vector<16xf32>, vector<16xi32> -> vector<16xf32>
      %add3A_464 = arith.addf %add3A_460, %gather3A_463 : vector<16xf32>
      %broadcast_in_dim3A_465 = vector.shape_cast %xor3A_385 : vector<16xi32> to vector<16x1xi32>
      %gather3A_466 = vector.shape_cast %broadcast_in_dim3A_465 : vector<16x1xi32> to vector<16xi32>
      %gather3A_467 = tpu.dynamic_gather %add3A_464[%gather3A_466] in [0] : vector<16xf32>, vector<16xi32> -> vector<16xf32>
      %add3A_468 = arith.addf %add3A_464, %gather3A_467 : vector<16xf32>
      %broadcast_in_dim3A_469 = vector.shape_cast %xor3A_388 : vector<16xi32> to vector<16x1xi32>
      %gather3A_470 = vector.shape_cast %broadcast_in_dim3A_469 : vector<16x1xi32> to vector<16xi32>
      %gather3A_471 = tpu.dynamic_gather %add3A_468[%gather3A_470] in [0] : vector<16xf32>, vector<16xi32> -> vector<16xf32>
      %add3A_472 = arith.addf %add3A_468, %gather3A_471 : vector<16xf32>
      %eq3A_473 = arith.constant 1 : i32
      %eq3A_474 = vector.broadcast %eq3A_473 : i32 to vector<16xi32>
      %eq3A_475 = arith.cmpi eq, %iota3A, %eq3A_474 : vector<16xi32>
      %select_n3A_476 = arith.select %eq3A_475, %add3A_472, %select_n3A : vector<16xi1>, vector<16xf32>
      %add3A_477 = arith.constant 2 : i32
      %add3A_478 = arith.addi %mul3A_396, %add3A_477 : i32
      %get3A_479 = arith.index_cast %add3A_478 : i32 to index
      %get3A_480 = arith.constant 0 : index
      %get3A_481 = tpu.vector_load %arg12[%get3A_479, %get3A_480] {strides = array<i32>} : memref<512x32xf32, #tpu.memory_space<vmem>>, vector<1x16xf32>,
      %get3A_482 = vector.shape_cast %get3A_481 : vector<1x16xf32> to vector<16xf32>
      %get3A_483 = arith.index_cast %add3A_478 : i32 to index
      %get3A_484 = arith.constant 16 : index
      %get3A_485 = tpu.vector_load %arg12[%get3A_483, %get3A_484] {strides = array<i32>} : memref<512x32xf32, #tpu.memory_space<vmem>>, vector<1x16xf32>,
      %get3A_486 = vector.shape_cast %get3A_485 : vector<1x16xf32> to vector<16xf32>
      %get3A_487 = arith.index_cast %add3A_478 : i32 to index
      %get3A_488 = arith.constant 0 : index
      %get3A_489 = tpu.vector_load %arg13[%get3A_487, %get3A_488] {strides = array<i32>} : memref<512x32xf32, #tpu.memory_space<vmem>>, vector<1x16xf32>,
      %get3A_490 = vector.shape_cast %get3A_489 : vector<1x16xf32> to vector<16xf32>
      %get3A_491 = arith.index_cast %add3A_478 : i32 to index
      %get3A_492 = arith.constant 16 : index
      %get3A_493 = tpu.vector_load %arg13[%get3A_491, %get3A_492] {strides = array<i32>} : memref<512x32xf32, #tpu.memory_space<vmem>>, vector<1x16xf32>,
      %get3A_494 = vector.shape_cast %get3A_493 : vector<1x16xf32> to vector<16xf32>
      %mul3A_495 = arith.mulf %get3A_482, %get3A_490 : vector<16xf32>
      %mul3A_496 = arith.mulf %get3A_486, %get3A_494 : vector<16xf32>
      %add3A_497 = arith.addf %mul3A_495, %mul3A_496 : vector<16xf32>
      %broadcast_in_dim3A_498 = vector.shape_cast %xor3A_379 : vector<16xi32> to vector<16x1xi32>
      %gather3A_499 = vector.shape_cast %broadcast_in_dim3A_498 : vector<16x1xi32> to vector<16xi32>
      %gather3A_500 = tpu.dynamic_gather %add3A_497[%gather3A_499] in [0] : vector<16xf32>, vector<16xi32> -> vector<16xf32>
      %add3A_501 = arith.addf %add3A_497, %gather3A_500 : vector<16xf32>
      %broadcast_in_dim3A_502 = vector.shape_cast %xor3A_382 : vector<16xi32> to vector<16x1xi32>
      %gather3A_503 = vector.shape_cast %broadcast_in_dim3A_502 : vector<16x1xi32> to vector<16xi32>
      %gather3A_504 = tpu.dynamic_gather %add3A_501[%gather3A_503] in [0] : vector<16xf32>, vector<16xi32> -> vector<16xf32>
      %add3A_505 = arith.addf %add3A_501, %gather3A_504 : vector<16xf32>
      %broadcast_in_dim3A_506 = vector.shape_cast %xor3A_385 : vector<16xi32> to vector<16x1xi32>
      %gather3A_507 = vector.shape_cast %broadcast_in_dim3A_506 : vector<16x1xi32> to vector<16xi32>
      %gather3A_508 = tpu.dynamic_gather %add3A_505[%gather3A_507] in [0] : vector<16xf32>, vector<16xi32> -> vector<16xf32>
      %add3A_509 = arith.addf %add3A_505, %gather3A_508 : vector<16xf32>
      %broadcast_in_dim3A_510 = vector.shape_cast %xor3A_388 : vector<16xi32> to vector<16x1xi32>
      %gather3A_511 = vector.shape_cast %broadcast_in_dim3A_510 : vector<16x1xi32> to vector<16xi32>
      %gather3A_512 = tpu.dynamic_gather %add3A_509[%gather3A_511] in [0] : vector<16xf32>, vector<16xi32> -> vector<16xf32>
      %add3A_513 = arith.addf %add3A_509, %gather3A_512 : vector<16xf32>
      %eq3A_514 = arith.constant 2 : i32
      %eq3A_515 = vector.broadcast %eq3A_514 : i32 to vector<16xi32>
      %eq3A_516 = arith.cmpi eq, %iota3A, %eq3A_515 : vector<16xi32>
      %select_n3A_517 = arith.select %eq3A_516, %add3A_513, %select_n3A_476 : vector<16xi1>, vector<16xf32>
      %add3A_518 = arith.constant 3 : i32
      %add3A_519 = arith.addi %mul3A_396, %add3A_518 : i32
      %get3A_520 = arith.index_cast %add3A_519 : i32 to index
      %get3A_521 = arith.constant 0 : index
      %get3A_522 = tpu.vector_load %arg12[%get3A_520, %get3A_521] {strides = array<i32>} : memref<512x32xf32, #tpu.memory_space<vmem>>, vector<1x16xf32>,
      %get3A_523 = vector.shape_cast %get3A_522 : vector<1x16xf32> to vector<16xf32>
      %get3A_524 = arith.index_cast %add3A_519 : i32 to index
      %get3A_525 = arith.constant 16 : index
      %get3A_526 = tpu.vector_load %arg12[%get3A_524, %get3A_525] {strides = array<i32>} : memref<512x32xf32, #tpu.memory_space<vmem>>, vector<1x16xf32>,
      %get3A_527 = vector.shape_cast %get3A_526 : vector<1x16xf32> to vector<16xf32>
      %get3A_528 = arith.index_cast %add3A_519 : i32 to index
      %get3A_529 = arith.constant 0 : index
      %get3A_530 = tpu.vector_load %arg13[%get3A_528, %get3A_529] {strides = array<i32>} : memref<512x32xf32, #tpu.memory_space<vmem>>, vector<1x16xf32>,
      %get3A_531 = vector.shape_cast %get3A_530 : vector<1x16xf32> to vector<16xf32>
      %get3A_532 = arith.index_cast %add3A_519 : i32 to index
      %get3A_533 = arith.constant 16 : index
      %get3A_534 = tpu.vector_load %arg13[%get3A_532, %get3A_533] {strides = array<i32>} : memref<512x32xf32, #tpu.memory_space<vmem>>, vector<1x16xf32>,
      %get3A_535 = vector.shape_cast %get3A_534 : vector<1x16xf32> to vector<16xf32>
      %mul3A_536 = arith.mulf %get3A_523, %get3A_531 : vector<16xf32>
      %mul3A_537 = arith.mulf %get3A_527, %get3A_535 : vector<16xf32>
      %add3A_538 = arith.addf %mul3A_536, %mul3A_537 : vector<16xf32>
      %broadcast_in_dim3A_539 = vector.shape_cast %xor3A_379 : vector<16xi32> to vector<16x1xi32>
      %gather3A_540 = vector.shape_cast %broadcast_in_dim3A_539 : vector<16x1xi32> to vector<16xi32>
      %gather3A_541 = tpu.dynamic_gather %add3A_538[%gather3A_540] in [0] : vector<16xf32>, vector<16xi32> -> vector<16xf32>
      %add3A_542 = arith.addf %add3A_538, %gather3A_541 : vector<16xf32>
      %broadcast_in_dim3A_543 = vector.shape_cast %xor3A_382 : vector<16xi32> to vector<16x1xi32>
      %gather3A_544 = vector.shape_cast %broadcast_in_dim3A_543 : vector<16x1xi32> to vector<16xi32>
      %gather3A_545 = tpu.dynamic_gather %add3A_542[%gather3A_544] in [0] : vector<16xf32>, vector<16xi32> -> vector<16xf32>
      %add3A_546 = arith.addf %add3A_542, %gather3A_545 : vector<16xf32>
      %broadcast_in_dim3A_547 = vector.shape_cast %xor3A_385 : vector<16xi32> to vector<16x1xi32>
      %gather3A_548 = vector.shape_cast %broadcast_in_dim3A_547 : vector<16x1xi32> to vector<16xi32>
      %gather3A_549 = tpu.dynamic_gather %add3A_546[%gather3A_548] in [0] : vector<16xf32>, vector<16xi32> -> vector<16xf32>
      %add3A_550 = arith.addf %add3A_546, %gather3A_549 : vector<16xf32>
      %broadcast_in_dim3A_551 = vector.shape_cast %xor3A_388 : vector<16xi32> to vector<16x1xi32>
      %gather3A_552 = vector.shape_cast %broadcast_in_dim3A_551 : vector<16x1xi32> to vector<16xi32>
      %gather3A_553 = tpu.dynamic_gather %add3A_550[%gather3A_552] in [0] : vector<16xf32>, vector<16xi32> -> vector<16xf32>
      %add3A_554 = arith.addf %add3A_550, %gather3A_553 : vector<16xf32>
      %eq3A_555 = arith.constant 3 : i32
      %eq3A_556 = vector.broadcast %eq3A_555 : i32 to vector<16xi32>
      %eq3A_557 = arith.cmpi eq, %iota3A, %eq3A_556 : vector<16xi32>
      %select_n3A_558 = arith.select %eq3A_557, %add3A_554, %select_n3A_517 : vector<16xi1>, vector<16xf32>
      %add3A_559 = arith.constant 4 : i32
      %add3A_560 = arith.addi %mul3A_396, %add3A_559 : i32
      %get3A_561 = arith.index_cast %add3A_560 : i32 to index
      %get3A_562 = arith.constant 0 : index
      %get3A_563 = tpu.vector_load %arg12[%get3A_561, %get3A_562] {strides = array<i32>} : memref<512x32xf32, #tpu.memory_space<vmem>>, vector<1x16xf32>,
      %get3A_564 = vector.shape_cast %get3A_563 : vector<1x16xf32> to vector<16xf32>
      %get3A_565 = arith.index_cast %add3A_560 : i32 to index
      %get3A_566 = arith.constant 16 : index
      %get3A_567 = tpu.vector_load %arg12[%get3A_565, %get3A_566] {strides = array<i32>} : memref<512x32xf32, #tpu.memory_space<vmem>>, vector<1x16xf32>,
      %get3A_568 = vector.shape_cast %get3A_567 : vector<1x16xf32> to vector<16xf32>
      %get3A_569 = arith.index_cast %add3A_560 : i32 to index
      %get3A_570 = arith.constant 0 : index
      %get3A_571 = tpu.vector_load %arg13[%get3A_569, %get3A_570] {strides = array<i32>} : memref<512x32xf32, #tpu.memory_space<vmem>>, vector<1x16xf32>,
      %get3A_572 = vector.shape_cast %get3A_571 : vector<1x16xf32> to vector<16xf32>
      %get3A_573 = arith.index_cast %add3A_560 : i32 to index
      %get3A_574 = arith.constant 16 : index
      %get3A_575 = tpu.vector_load %arg13[%get3A_573, %get3A_574] {strides = array<i32>} : memref<512x32xf32, #tpu.memory_space<vmem>>, vector<1x16xf32>,
      %get3A_576 = vector.shape_cast %get3A_575 : vector<1x16xf32> to vector<16xf32>
      %mul3A_577 = arith.mulf %get3A_564, %get3A_572 : vector<16xf32>
      %mul3A_578 = arith.mulf %get3A_568, %get3A_576 : vector<16xf32>
      %add3A_579 = arith.addf %mul3A_577, %mul3A_578 : vector<16xf32>
      %broadcast_in_dim3A_580 = vector.shape_cast %xor3A_379 : vector<16xi32> to vector<16x1xi32>
      %gather3A_581 = vector.shape_cast %broadcast_in_dim3A_580 : vector<16x1xi32> to vector<16xi32>
      %gather3A_582 = tpu.dynamic_gather %add3A_579[%gather3A_581] in [0] : vector<16xf32>, vector<16xi32> -> vector<16xf32>
      %add3A_583 = arith.addf %add3A_579, %gather3A_582 : vector<16xf32>
      %broadcast_in_dim3A_584 = vector.shape_cast %xor3A_382 : vector<16xi32> to vector<16x1xi32>
      %gather3A_585 = vector.shape_cast %broadcast_in_dim3A_584 : vector<16x1xi32> to vector<16xi32>
      %gather3A_586 = tpu.dynamic_gather %add3A_583[%gather3A_585] in [0] : vector<16xf32>, vector<16xi32> -> vector<16xf32>
      %add3A_587 = arith.addf %add3A_583, %gather3A_586 : vector<16xf32>
      %broadcast_in_dim3A_588 = vector.shape_cast %xor3A_385 : vector<16xi32> to vector<16x1xi32>
      %gather3A_589 = vector.shape_cast %broadcast_in_dim3A_588 : vector<16x1xi32> to vector<16xi32>
      %gather3A_590 = tpu.dynamic_gather %add3A_587[%gather3A_589] in [0] : vector<16xf32>, vector<16xi32> -> vector<16xf32>
      %add3A_591 = arith.addf %add3A_587, %gather3A_590 : vector<16xf32>
      %broadcast_in_dim3A_592 = vector.shape_cast %xor3A_388 : vector<16xi32> to vector<16x1xi32>
      %gather3A_593 = vector.shape_cast %broadcast_in_dim3A_592 : vector<16x1xi32> to vector<16xi32>
      %gather3A_594 = tpu.dynamic_gather %add3A_591[%gather3A_593] in [0] : vector<16xf32>, vector<16xi32> -> vector<16xf32>
      %add3A_595 = arith.addf %add3A_591, %gather3A_594 : vector<16xf32>
      %eq3A_596 = arith.constant 4 : i32
      %eq3A_597 = vector.broadcast %eq3A_596 : i32 to vector<16xi32>
      %eq3A_598 = arith.cmpi eq, %iota3A, %eq3A_597 : vector<16xi32>
      %select_n3A_599 = arith.select %eq3A_598, %add3A_595, %select_n3A_558 : vector<16xi1>, vector<16xf32>
      %add3A_600 = arith.constant 5 : i32
      %add3A_601 = arith.addi %mul3A_396, %add3A_600 : i32
      %get3A_602 = arith.index_cast %add3A_601 : i32 to index
      %get3A_603 = arith.constant 0 : index
      %get3A_604 = tpu.vector_load %arg12[%get3A_602, %get3A_603] {strides = array<i32>} : memref<512x32xf32, #tpu.memory_space<vmem>>, vector<1x16xf32>,
      %get3A_605 = vector.shape_cast %get3A_604 : vector<1x16xf32> to vector<16xf32>
      %get3A_606 = arith.index_cast %add3A_601 : i32 to index
      %get3A_607 = arith.constant 16 : index
      %get3A_608 = tpu.vector_load %arg12[%get3A_606, %get3A_607] {strides = array<i32>} : memref<512x32xf32, #tpu.memory_space<vmem>>, vector<1x16xf32>,
      %get3A_609 = vector.shape_cast %get3A_608 : vector<1x16xf32> to vector<16xf32>
      %get3A_610 = arith.index_cast %add3A_601 : i32 to index
      %get3A_611 = arith.constant 0 : index
      %get3A_612 = tpu.vector_load %arg13[%get3A_610, %get3A_611] {strides = array<i32>} : memref<512x32xf32, #tpu.memory_space<vmem>>, vector<1x16xf32>,
      %get3A_613 = vector.shape_cast %get3A_612 : vector<1x16xf32> to vector<16xf32>
      %get3A_614 = arith.index_cast %add3A_601 : i32 to index
      %get3A_615 = arith.constant 16 : index
      %get3A_616 = tpu.vector_load %arg13[%get3A_614, %get3A_615] {strides = array<i32>} : memref<512x32xf32, #tpu.memory_space<vmem>>, vector<1x16xf32>,
      %get3A_617 = vector.shape_cast %get3A_616 : vector<1x16xf32> to vector<16xf32>
      %mul3A_618 = arith.mulf %get3A_605, %get3A_613 : vector<16xf32>
      %mul3A_619 = arith.mulf %get3A_609, %get3A_617 : vector<16xf32>
      %add3A_620 = arith.addf %mul3A_618, %mul3A_619 : vector<16xf32>
      %broadcast_in_dim3A_621 = vector.shape_cast %xor3A_379 : vector<16xi32> to vector<16x1xi32>
      %gather3A_622 = vector.shape_cast %broadcast_in_dim3A_621 : vector<16x1xi32> to vector<16xi32>
      %gather3A_623 = tpu.dynamic_gather %add3A_620[%gather3A_622] in [0] : vector<16xf32>, vector<16xi32> -> vector<16xf32>
      %add3A_624 = arith.addf %add3A_620, %gather3A_623 : vector<16xf32>
      %broadcast_in_dim3A_625 = vector.shape_cast %xor3A_382 : vector<16xi32> to vector<16x1xi32>
      %gather3A_626 = vector.shape_cast %broadcast_in_dim3A_625 : vector<16x1xi32> to vector<16xi32>
      %gather3A_627 = tpu.dynamic_gather %add3A_624[%gather3A_626] in [0] : vector<16xf32>, vector<16xi32> -> vector<16xf32>
      %add3A_628 = arith.addf %add3A_624, %gather3A_627 : vector<16xf32>
      %broadcast_in_dim3A_629 = vector.shape_cast %xor3A_385 : vector<16xi32> to vector<16x1xi32>
      %gather3A_630 = vector.shape_cast %broadcast_in_dim3A_629 : vector<16x1xi32> to vector<16xi32>
      %gather3A_631 = tpu.dynamic_gather %add3A_628[%gather3A_630] in [0] : vector<16xf32>, vector<16xi32> -> vector<16xf32>
      %add3A_632 = arith.addf %add3A_628, %gather3A_631 : vector<16xf32>
      %broadcast_in_dim3A_633 = vector.shape_cast %xor3A_388 : vector<16xi32> to vector<16x1xi32>
      %gather3A_634 = vector.shape_cast %broadcast_in_dim3A_633 : vector<16x1xi32> to vector<16xi32>
      %gather3A_635 = tpu.dynamic_gather %add3A_632[%gather3A_634] in [0] : vector<16xf32>, vector<16xi32> -> vector<16xf32>
      %add3A_636 = arith.addf %add3A_632, %gather3A_635 : vector<16xf32>
      %eq3A_637 = arith.constant 5 : i32
      %eq3A_638 = vector.broadcast %eq3A_637 : i32 to vector<16xi32>
      %eq3A_639 = arith.cmpi eq, %iota3A, %eq3A_638 : vector<16xi32>
      %select_n3A_640 = arith.select %eq3A_639, %add3A_636, %select_n3A_599 : vector<16xi1>, vector<16xf32>
      %add3A_641 = arith.constant 6 : i32
      %add3A_642 = arith.addi %mul3A_396, %add3A_641 : i32
      %get3A_643 = arith.index_cast %add3A_642 : i32 to index
      %get3A_644 = arith.constant 0 : index
      %get3A_645 = tpu.vector_load %arg12[%get3A_643, %get3A_644] {strides = array<i32>} : memref<512x32xf32, #tpu.memory_space<vmem>>, vector<1x16xf32>,
      %get3A_646 = vector.shape_cast %get3A_645 : vector<1x16xf32> to vector<16xf32>
      %get3A_647 = arith.index_cast %add3A_642 : i32 to index
      %get3A_648 = arith.constant 16 : index
      %get3A_649 = tpu.vector_load %arg12[%get3A_647, %get3A_648] {strides = array<i32>} : memref<512x32xf32, #tpu.memory_space<vmem>>, vector<1x16xf32>,
      %get3A_650 = vector.shape_cast %get3A_649 : vector<1x16xf32> to vector<16xf32>
      %get3A_651 = arith.index_cast %add3A_642 : i32 to index
      %get3A_652 = arith.constant 0 : index
      %get3A_653 = tpu.vector_load %arg13[%get3A_651, %get3A_652] {strides = array<i32>} : memref<512x32xf32, #tpu.memory_space<vmem>>, vector<1x16xf32>,
      %get3A_654 = vector.shape_cast %get3A_653 : vector<1x16xf32> to vector<16xf32>
      %get3A_655 = arith.index_cast %add3A_642 : i32 to index
      %get3A_656 = arith.constant 16 : index
      %get3A_657 = tpu.vector_load %arg13[%get3A_655, %get3A_656] {strides = array<i32>} : memref<512x32xf32, #tpu.memory_space<vmem>>, vector<1x16xf32>,
      %get3A_658 = vector.shape_cast %get3A_657 : vector<1x16xf32> to vector<16xf32>
      %mul3A_659 = arith.mulf %get3A_646, %get3A_654 : vector<16xf32>
      %mul3A_660 = arith.mulf %get3A_650, %get3A_658 : vector<16xf32>
      %add3A_661 = arith.addf %mul3A_659, %mul3A_660 : vector<16xf32>
      %broadcast_in_dim3A_662 = vector.shape_cast %xor3A_379 : vector<16xi32> to vector<16x1xi32>
      %gather3A_663 = vector.shape_cast %broadcast_in_dim3A_662 : vector<16x1xi32> to vector<16xi32>
      %gather3A_664 = tpu.dynamic_gather %add3A_661[%gather3A_663] in [0] : vector<16xf32>, vector<16xi32> -> vector<16xf32>
      %add3A_665 = arith.addf %add3A_661, %gather3A_664 : vector<16xf32>
      %broadcast_in_dim3A_666 = vector.shape_cast %xor3A_382 : vector<16xi32> to vector<16x1xi32>
      %gather3A_667 = vector.shape_cast %broadcast_in_dim3A_666 : vector<16x1xi32> to vector<16xi32>
      %gather3A_668 = tpu.dynamic_gather %add3A_665[%gather3A_667] in [0] : vector<16xf32>, vector<16xi32> -> vector<16xf32>
      %add3A_669 = arith.addf %add3A_665, %gather3A_668 : vector<16xf32>
      %broadcast_in_dim3A_670 = vector.shape_cast %xor3A_385 : vector<16xi32> to vector<16x1xi32>
      %gather3A_671 = vector.shape_cast %broadcast_in_dim3A_670 : vector<16x1xi32> to vector<16xi32>
      %gather3A_672 = tpu.dynamic_gather %add3A_669[%gather3A_671] in [0] : vector<16xf32>, vector<16xi32> -> vector<16xf32>
      %add3A_673 = arith.addf %add3A_669, %gather3A_672 : vector<16xf32>
      %broadcast_in_dim3A_674 = vector.shape_cast %xor3A_388 : vector<16xi32> to vector<16x1xi32>
      %gather3A_675 = vector.shape_cast %broadcast_in_dim3A_674 : vector<16x1xi32> to vector<16xi32>
      %gather3A_676 = tpu.dynamic_gather %add3A_673[%gather3A_675] in [0] : vector<16xf32>, vector<16xi32> -> vector<16xf32>
      %add3A_677 = arith.addf %add3A_673, %gather3A_676 : vector<16xf32>
      %eq3A_678 = arith.constant 6 : i32
      %eq3A_679 = vector.broadcast %eq3A_678 : i32 to vector<16xi32>
      %eq3A_680 = arith.cmpi eq, %iota3A, %eq3A_679 : vector<16xi32>
      %select_n3A_681 = arith.select %eq3A_680, %add3A_677, %select_n3A_640 : vector<16xi1>, vector<16xf32>
      %add3A_682 = arith.constant 7 : i32
      %add3A_683 = arith.addi %mul3A_396, %add3A_682 : i32
      %get3A_684 = arith.index_cast %add3A_683 : i32 to index
      %get3A_685 = arith.constant 0 : index
      %get3A_686 = tpu.vector_load %arg12[%get3A_684, %get3A_685] {strides = array<i32>} : memref<512x32xf32, #tpu.memory_space<vmem>>, vector<1x16xf32>,
      %get3A_687 = vector.shape_cast %get3A_686 : vector<1x16xf32> to vector<16xf32>
      %get3A_688 = arith.index_cast %add3A_683 : i32 to index
      %get3A_689 = arith.constant 16 : index
      %get3A_690 = tpu.vector_load %arg12[%get3A_688, %get3A_689] {strides = array<i32>} : memref<512x32xf32, #tpu.memory_space<vmem>>, vector<1x16xf32>,
      %get3A_691 = vector.shape_cast %get3A_690 : vector<1x16xf32> to vector<16xf32>
      %get3A_692 = arith.index_cast %add3A_683 : i32 to index
      %get3A_693 = arith.constant 0 : index
      %get3A_694 = tpu.vector_load %arg13[%get3A_692, %get3A_693] {strides = array<i32>} : memref<512x32xf32, #tpu.memory_space<vmem>>, vector<1x16xf32>,
      %get3A_695 = vector.shape_cast %get3A_694 : vector<1x16xf32> to vector<16xf32>
      %get3A_696 = arith.index_cast %add3A_683 : i32 to index
      %get3A_697 = arith.constant 16 : index
      %get3A_698 = tpu.vector_load %arg13[%get3A_696, %get3A_697] {strides = array<i32>} : memref<512x32xf32, #tpu.memory_space<vmem>>, vector<1x16xf32>,
      %get3A_699 = vector.shape_cast %get3A_698 : vector<1x16xf32> to vector<16xf32>
      %mul3A_700 = arith.mulf %get3A_687, %get3A_695 : vector<16xf32>
      %mul3A_701 = arith.mulf %get3A_691, %get3A_699 : vector<16xf32>
      %add3A_702 = arith.addf %mul3A_700, %mul3A_701 : vector<16xf32>
      %broadcast_in_dim3A_703 = vector.shape_cast %xor3A_379 : vector<16xi32> to vector<16x1xi32>
      %gather3A_704 = vector.shape_cast %broadcast_in_dim3A_703 : vector<16x1xi32> to vector<16xi32>
      %gather3A_705 = tpu.dynamic_gather %add3A_702[%gather3A_704] in [0] : vector<16xf32>, vector<16xi32> -> vector<16xf32>
      %add3A_706 = arith.addf %add3A_702, %gather3A_705 : vector<16xf32>
      %broadcast_in_dim3A_707 = vector.shape_cast %xor3A_382 : vector<16xi32> to vector<16x1xi32>
      %gather3A_708 = vector.shape_cast %broadcast_in_dim3A_707 : vector<16x1xi32> to vector<16xi32>
      %gather3A_709 = tpu.dynamic_gather %add3A_706[%gather3A_708] in [0] : vector<16xf32>, vector<16xi32> -> vector<16xf32>
      %add3A_710 = arith.addf %add3A_706, %gather3A_709 : vector<16xf32>
      %broadcast_in_dim3A_711 = vector.shape_cast %xor3A_385 : vector<16xi32> to vector<16x1xi32>
      %gather3A_712 = vector.shape_cast %broadcast_in_dim3A_711 : vector<16x1xi32> to vector<16xi32>
      %gather3A_713 = tpu.dynamic_gather %add3A_710[%gather3A_712] in [0] : vector<16xf32>, vector<16xi32> -> vector<16xf32>
      %add3A_714 = arith.addf %add3A_710, %gather3A_713 : vector<16xf32>
      %broadcast_in_dim3A_715 = vector.shape_cast %xor3A_388 : vector<16xi32> to vector<16x1xi32>
      %gather3A_716 = vector.shape_cast %broadcast_in_dim3A_715 : vector<16x1xi32> to vector<16xi32>
      %gather3A_717 = tpu.dynamic_gather %add3A_714[%gather3A_716] in [0] : vector<16xf32>, vector<16xi32> -> vector<16xf32>
      %add3A_718 = arith.addf %add3A_714, %gather3A_717 : vector<16xf32>
      %eq3A_719 = arith.constant 7 : i32
      %eq3A_720 = vector.broadcast %eq3A_719 : i32 to vector<16xi32>
      %eq3A_721 = arith.cmpi eq, %iota3A, %eq3A_720 : vector<16xi32>
      %select_n3A_722 = arith.select %eq3A_721, %add3A_718, %select_n3A_681 : vector<16xi1>, vector<16xf32>
      %add3A_723 = arith.constant 8 : i32
      %add3A_724 = arith.addi %mul3A_396, %add3A_723 : i32
      %get3A_725 = arith.index_cast %add3A_724 : i32 to index
      %get3A_726 = arith.constant 0 : index
      %get3A_727 = tpu.vector_load %arg12[%get3A_725, %get3A_726] {strides = array<i32>} : memref<512x32xf32, #tpu.memory_space<vmem>>, vector<1x16xf32>,
      %get3A_728 = vector.shape_cast %get3A_727 : vector<1x16xf32> to vector<16xf32>
      %get3A_729 = arith.index_cast %add3A_724 : i32 to index
      %get3A_730 = arith.constant 16 : index
      %get3A_731 = tpu.vector_load %arg12[%get3A_729, %get3A_730] {strides = array<i32>} : memref<512x32xf32, #tpu.memory_space<vmem>>, vector<1x16xf32>,
      %get3A_732 = vector.shape_cast %get3A_731 : vector<1x16xf32> to vector<16xf32>
      %get3A_733 = arith.index_cast %add3A_724 : i32 to index
      %get3A_734 = arith.constant 0 : index
      %get3A_735 = tpu.vector_load %arg13[%get3A_733, %get3A_734] {strides = array<i32>} : memref<512x32xf32, #tpu.memory_space<vmem>>, vector<1x16xf32>,
      %get3A_736 = vector.shape_cast %get3A_735 : vector<1x16xf32> to vector<16xf32>
      %get3A_737 = arith.index_cast %add3A_724 : i32 to index
      %get3A_738 = arith.constant 16 : index
      %get3A_739 = tpu.vector_load %arg13[%get3A_737, %get3A_738] {strides = array<i32>} : memref<512x32xf32, #tpu.memory_space<vmem>>, vector<1x16xf32>,
      %get3A_740 = vector.shape_cast %get3A_739 : vector<1x16xf32> to vector<16xf32>
      %mul3A_741 = arith.mulf %get3A_728, %get3A_736 : vector<16xf32>
      %mul3A_742 = arith.mulf %get3A_732, %get3A_740 : vector<16xf32>
      %add3A_743 = arith.addf %mul3A_741, %mul3A_742 : vector<16xf32>
      %broadcast_in_dim3A_744 = vector.shape_cast %xor3A_379 : vector<16xi32> to vector<16x1xi32>
      %gather3A_745 = vector.shape_cast %broadcast_in_dim3A_744 : vector<16x1xi32> to vector<16xi32>
      %gather3A_746 = tpu.dynamic_gather %add3A_743[%gather3A_745] in [0] : vector<16xf32>, vector<16xi32> -> vector<16xf32>
      %add3A_747 = arith.addf %add3A_743, %gather3A_746 : vector<16xf32>
      %broadcast_in_dim3A_748 = vector.shape_cast %xor3A_382 : vector<16xi32> to vector<16x1xi32>
      %gather3A_749 = vector.shape_cast %broadcast_in_dim3A_748 : vector<16x1xi32> to vector<16xi32>
      %gather3A_750 = tpu.dynamic_gather %add3A_747[%gather3A_749] in [0] : vector<16xf32>, vector<16xi32> -> vector<16xf32>
      %add3A_751 = arith.addf %add3A_747, %gather3A_750 : vector<16xf32>
      %broadcast_in_dim3A_752 = vector.shape_cast %xor3A_385 : vector<16xi32> to vector<16x1xi32>
      %gather3A_753 = vector.shape_cast %broadcast_in_dim3A_752 : vector<16x1xi32> to vector<16xi32>
      %gather3A_754 = tpu.dynamic_gather %add3A_751[%gather3A_753] in [0] : vector<16xf32>, vector<16xi32> -> vector<16xf32>
      %add3A_755 = arith.addf %add3A_751, %gather3A_754 : vector<16xf32>
      %broadcast_in_dim3A_756 = vector.shape_cast %xor3A_388 : vector<16xi32> to vector<16x1xi32>
      %gather3A_757 = vector.shape_cast %broadcast_in_dim3A_756 : vector<16x1xi32> to vector<16xi32>
      %gather3A_758 = tpu.dynamic_gather %add3A_755[%gather3A_757] in [0] : vector<16xf32>, vector<16xi32> -> vector<16xf32>
      %add3A_759 = arith.addf %add3A_755, %gather3A_758 : vector<16xf32>
      %eq3A_760 = arith.constant 8 : i32
      %eq3A_761 = vector.broadcast %eq3A_760 : i32 to vector<16xi32>
      %eq3A_762 = arith.cmpi eq, %iota3A, %eq3A_761 : vector<16xi32>
      %select_n3A_763 = arith.select %eq3A_762, %add3A_759, %select_n3A_722 : vector<16xi1>, vector<16xf32>
      %add3A_764 = arith.constant 9 : i32
      %add3A_765 = arith.addi %mul3A_396, %add3A_764 : i32
      %get3A_766 = arith.index_cast %add3A_765 : i32 to index
      %get3A_767 = arith.constant 0 : index
      %get3A_768 = tpu.vector_load %arg12[%get3A_766, %get3A_767] {strides = array<i32>} : memref<512x32xf32, #tpu.memory_space<vmem>>, vector<1x16xf32>,
      %get3A_769 = vector.shape_cast %get3A_768 : vector<1x16xf32> to vector<16xf32>
      %get3A_770 = arith.index_cast %add3A_765 : i32 to index
      %get3A_771 = arith.constant 16 : index
      %get3A_772 = tpu.vector_load %arg12[%get3A_770, %get3A_771] {strides = array<i32>} : memref<512x32xf32, #tpu.memory_space<vmem>>, vector<1x16xf32>,
      %get3A_773 = vector.shape_cast %get3A_772 : vector<1x16xf32> to vector<16xf32>
      %get3A_774 = arith.index_cast %add3A_765 : i32 to index
      %get3A_775 = arith.constant 0 : index
      %get3A_776 = tpu.vector_load %arg13[%get3A_774, %get3A_775] {strides = array<i32>} : memref<512x32xf32, #tpu.memory_space<vmem>>, vector<1x16xf32>,
      %get3A_777 = vector.shape_cast %get3A_776 : vector<1x16xf32> to vector<16xf32>
      %get3A_778 = arith.index_cast %add3A_765 : i32 to index
      %get3A_779 = arith.constant 16 : index
      %get3A_780 = tpu.vector_load %arg13[%get3A_778, %get3A_779] {strides = array<i32>} : memref<512x32xf32, #tpu.memory_space<vmem>>, vector<1x16xf32>,
      %get3A_781 = vector.shape_cast %get3A_780 : vector<1x16xf32> to vector<16xf32>
      %mul3A_782 = arith.mulf %get3A_769, %get3A_777 : vector<16xf32>
      %mul3A_783 = arith.mulf %get3A_773, %get3A_781 : vector<16xf32>
      %add3A_784 = arith.addf %mul3A_782, %mul3A_783 : vector<16xf32>
      %broadcast_in_dim3A_785 = vector.shape_cast %xor3A_379 : vector<16xi32> to vector<16x1xi32>
      %gather3A_786 = vector.shape_cast %broadcast_in_dim3A_785 : vector<16x1xi32> to vector<16xi32>
      %gather3A_787 = tpu.dynamic_gather %add3A_784[%gather3A_786] in [0] : vector<16xf32>, vector<16xi32> -> vector<16xf32>
      %add3A_788 = arith.addf %add3A_784, %gather3A_787 : vector<16xf32>
      %broadcast_in_dim3A_789 = vector.shape_cast %xor3A_382 : vector<16xi32> to vector<16x1xi32>
      %gather3A_790 = vector.shape_cast %broadcast_in_dim3A_789 : vector<16x1xi32> to vector<16xi32>
      %gather3A_791 = tpu.dynamic_gather %add3A_788[%gather3A_790] in [0] : vector<16xf32>, vector<16xi32> -> vector<16xf32>
      %add3A_792 = arith.addf %add3A_788, %gather3A_791 : vector<16xf32>
      %broadcast_in_dim3A_793 = vector.shape_cast %xor3A_385 : vector<16xi32> to vector<16x1xi32>
      %gather3A_794 = vector.shape_cast %broadcast_in_dim3A_793 : vector<16x1xi32> to vector<16xi32>
      %gather3A_795 = tpu.dynamic_gather %add3A_792[%gather3A_794] in [0] : vector<16xf32>, vector<16xi32> -> vector<16xf32>
      %add3A_796 = arith.addf %add3A_792, %gather3A_795 : vector<16xf32>
      %broadcast_in_dim3A_797 = vector.shape_cast %xor3A_388 : vector<16xi32> to vector<16x1xi32>
      %gather3A_798 = vector.shape_cast %broadcast_in_dim3A_797 : vector<16x1xi32> to vector<16xi32>
      %gather3A_799 = tpu.dynamic_gather %add3A_796[%gather3A_798] in [0] : vector<16xf32>, vector<16xi32> -> vector<16xf32>
      %add3A_800 = arith.addf %add3A_796, %gather3A_799 : vector<16xf32>
      %eq3A_801 = arith.constant 9 : i32
      %eq3A_802 = vector.broadcast %eq3A_801 : i32 to vector<16xi32>
      %eq3A_803 = arith.cmpi eq, %iota3A, %eq3A_802 : vector<16xi32>
      %select_n3A_804 = arith.select %eq3A_803, %add3A_800, %select_n3A_763 : vector<16xi1>, vector<16xf32>
      %add3A_805 = arith.constant 10 : i32
      %add3A_806 = arith.addi %mul3A_396, %add3A_805 : i32
      %get3A_807 = arith.index_cast %add3A_806 : i32 to index
      %get3A_808 = arith.constant 0 : index
      %get3A_809 = tpu.vector_load %arg12[%get3A_807, %get3A_808] {strides = array<i32>} : memref<512x32xf32, #tpu.memory_space<vmem>>, vector<1x16xf32>,
      %get3A_810 = vector.shape_cast %get3A_809 : vector<1x16xf32> to vector<16xf32>
      %get3A_811 = arith.index_cast %add3A_806 : i32 to index
      %get3A_812 = arith.constant 16 : index
      %get3A_813 = tpu.vector_load %arg12[%get3A_811, %get3A_812] {strides = array<i32>} : memref<512x32xf32, #tpu.memory_space<vmem>>, vector<1x16xf32>,
      %get3A_814 = vector.shape_cast %get3A_813 : vector<1x16xf32> to vector<16xf32>
      %get3A_815 = arith.index_cast %add3A_806 : i32 to index
      %get3A_816 = arith.constant 0 : index
      %get3A_817 = tpu.vector_load %arg13[%get3A_815, %get3A_816] {strides = array<i32>} : memref<512x32xf32, #tpu.memory_space<vmem>>, vector<1x16xf32>,
      %get3A_818 = vector.shape_cast %get3A_817 : vector<1x16xf32> to vector<16xf32>
      %get3A_819 = arith.index_cast %add3A_806 : i32 to index
      %get3A_820 = arith.constant 16 : index
      %get3A_821 = tpu.vector_load %arg13[%get3A_819, %get3A_820] {strides = array<i32>} : memref<512x32xf32, #tpu.memory_space<vmem>>, vector<1x16xf32>,
      %get3A_822 = vector.shape_cast %get3A_821 : vector<1x16xf32> to vector<16xf32>
      %mul3A_823 = arith.mulf %get3A_810, %get3A_818 : vector<16xf32>
      %mul3A_824 = arith.mulf %get3A_814, %get3A_822 : vector<16xf32>
      %add3A_825 = arith.addf %mul3A_823, %mul3A_824 : vector<16xf32>
      %broadcast_in_dim3A_826 = vector.shape_cast %xor3A_379 : vector<16xi32> to vector<16x1xi32>
      %gather3A_827 = vector.shape_cast %broadcast_in_dim3A_826 : vector<16x1xi32> to vector<16xi32>
      %gather3A_828 = tpu.dynamic_gather %add3A_825[%gather3A_827] in [0] : vector<16xf32>, vector<16xi32> -> vector<16xf32>
      %add3A_829 = arith.addf %add3A_825, %gather3A_828 : vector<16xf32>
      %broadcast_in_dim3A_830 = vector.shape_cast %xor3A_382 : vector<16xi32> to vector<16x1xi32>
      %gather3A_831 = vector.shape_cast %broadcast_in_dim3A_830 : vector<16x1xi32> to vector<16xi32>
      %gather3A_832 = tpu.dynamic_gather %add3A_829[%gather3A_831] in [0] : vector<16xf32>, vector<16xi32> -> vector<16xf32>
      %add3A_833 = arith.addf %add3A_829, %gather3A_832 : vector<16xf32>
      %broadcast_in_dim3A_834 = vector.shape_cast %xor3A_385 : vector<16xi32> to vector<16x1xi32>
      %gather3A_835 = vector.shape_cast %broadcast_in_dim3A_834 : vector<16x1xi32> to vector<16xi32>
      %gather3A_836 = tpu.dynamic_gather %add3A_833[%gather3A_835] in [0] : vector<16xf32>, vector<16xi32> -> vector<16xf32>
      %add3A_837 = arith.addf %add3A_833, %gather3A_836 : vector<16xf32>
      %broadcast_in_dim3A_838 = vector.shape_cast %xor3A_388 : vector<16xi32> to vector<16x1xi32>
      %gather3A_839 = vector.shape_cast %broadcast_in_dim3A_838 : vector<16x1xi32> to vector<16xi32>
      %gather3A_840 = tpu.dynamic_gather %add3A_837[%gather3A_839] in [0] : vector<16xf32>, vector<16xi32> -> vector<16xf32>
      %add3A_841 = arith.addf %add3A_837, %gather3A_840 : vector<16xf32>
      %eq3A_842 = arith.constant 10 : i32
      %eq3A_843 = vector.broadcast %eq3A_842 : i32 to vector<16xi32>
      %eq3A_844 = arith.cmpi eq, %iota3A, %eq3A_843 : vector<16xi32>
      %select_n3A_845 = arith.select %eq3A_844, %add3A_841, %select_n3A_804 : vector<16xi1>, vector<16xf32>
      %add3A_846 = arith.constant 11 : i32
      %add3A_847 = arith.addi %mul3A_396, %add3A_846 : i32
      %get3A_848 = arith.index_cast %add3A_847 : i32 to index
      %get3A_849 = arith.constant 0 : index
      %get3A_850 = tpu.vector_load %arg12[%get3A_848, %get3A_849] {strides = array<i32>} : memref<512x32xf32, #tpu.memory_space<vmem>>, vector<1x16xf32>,
      %get3A_851 = vector.shape_cast %get3A_850 : vector<1x16xf32> to vector<16xf32>
      %get3A_852 = arith.index_cast %add3A_847 : i32 to index
      %get3A_853 = arith.constant 16 : index
      %get3A_854 = tpu.vector_load %arg12[%get3A_852, %get3A_853] {strides = array<i32>} : memref<512x32xf32, #tpu.memory_space<vmem>>, vector<1x16xf32>,
      %get3A_855 = vector.shape_cast %get3A_854 : vector<1x16xf32> to vector<16xf32>
      %get3A_856 = arith.index_cast %add3A_847 : i32 to index
      %get3A_857 = arith.constant 0 : index
      %get3A_858 = tpu.vector_load %arg13[%get3A_856, %get3A_857] {strides = array<i32>} : memref<512x32xf32, #tpu.memory_space<vmem>>, vector<1x16xf32>,
      %get3A_859 = vector.shape_cast %get3A_858 : vector<1x16xf32> to vector<16xf32>
      %get3A_860 = arith.index_cast %add3A_847 : i32 to index
      %get3A_861 = arith.constant 16 : index
      %get3A_862 = tpu.vector_load %arg13[%get3A_860, %get3A_861] {strides = array<i32>} : memref<512x32xf32, #tpu.memory_space<vmem>>, vector<1x16xf32>,
      %get3A_863 = vector.shape_cast %get3A_862 : vector<1x16xf32> to vector<16xf32>
      %mul3A_864 = arith.mulf %get3A_851, %get3A_859 : vector<16xf32>
      %mul3A_865 = arith.mulf %get3A_855, %get3A_863 : vector<16xf32>
      %add3A_866 = arith.addf %mul3A_864, %mul3A_865 : vector<16xf32>
      %broadcast_in_dim3A_867 = vector.shape_cast %xor3A_379 : vector<16xi32> to vector<16x1xi32>
      %gather3A_868 = vector.shape_cast %broadcast_in_dim3A_867 : vector<16x1xi32> to vector<16xi32>
      %gather3A_869 = tpu.dynamic_gather %add3A_866[%gather3A_868] in [0] : vector<16xf32>, vector<16xi32> -> vector<16xf32>
      %add3A_870 = arith.addf %add3A_866, %gather3A_869 : vector<16xf32>
      %broadcast_in_dim3A_871 = vector.shape_cast %xor3A_382 : vector<16xi32> to vector<16x1xi32>
      %gather3A_872 = vector.shape_cast %broadcast_in_dim3A_871 : vector<16x1xi32> to vector<16xi32>
      %gather3A_873 = tpu.dynamic_gather %add3A_870[%gather3A_872] in [0] : vector<16xf32>, vector<16xi32> -> vector<16xf32>
      %add3A_874 = arith.addf %add3A_870, %gather3A_873 : vector<16xf32>
      %broadcast_in_dim3A_875 = vector.shape_cast %xor3A_385 : vector<16xi32> to vector<16x1xi32>
      %gather3A_876 = vector.shape_cast %broadcast_in_dim3A_875 : vector<16x1xi32> to vector<16xi32>
      %gather3A_877 = tpu.dynamic_gather %add3A_874[%gather3A_876] in [0] : vector<16xf32>, vector<16xi32> -> vector<16xf32>
      %add3A_878 = arith.addf %add3A_874, %gather3A_877 : vector<16xf32>
      %broadcast_in_dim3A_879 = vector.shape_cast %xor3A_388 : vector<16xi32> to vector<16x1xi32>
      %gather3A_880 = vector.shape_cast %broadcast_in_dim3A_879 : vector<16x1xi32> to vector<16xi32>
      %gather3A_881 = tpu.dynamic_gather %add3A_878[%gather3A_880] in [0] : vector<16xf32>, vector<16xi32> -> vector<16xf32>
      %add3A_882 = arith.addf %add3A_878, %gather3A_881 : vector<16xf32>
      %eq3A_883 = arith.constant 11 : i32
      %eq3A_884 = vector.broadcast %eq3A_883 : i32 to vector<16xi32>
      %eq3A_885 = arith.cmpi eq, %iota3A, %eq3A_884 : vector<16xi32>
      %select_n3A_886 = arith.select %eq3A_885, %add3A_882, %select_n3A_845 : vector<16xi1>, vector<16xf32>
      %add3A_887 = arith.constant 12 : i32
      %add3A_888 = arith.addi %mul3A_396, %add3A_887 : i32
      %get3A_889 = arith.index_cast %add3A_888 : i32 to index
      %get3A_890 = arith.constant 0 : index
      %get3A_891 = tpu.vector_load %arg12[%get3A_889, %get3A_890] {strides = array<i32>} : memref<512x32xf32, #tpu.memory_space<vmem>>, vector<1x16xf32>,
      %get3A_892 = vector.shape_cast %get3A_891 : vector<1x16xf32> to vector<16xf32>
      %get3A_893 = arith.index_cast %add3A_888 : i32 to index
      %get3A_894 = arith.constant 16 : index
      %get3A_895 = tpu.vector_load %arg12[%get3A_893, %get3A_894] {strides = array<i32>} : memref<512x32xf32, #tpu.memory_space<vmem>>, vector<1x16xf32>,
      %get3A_896 = vector.shape_cast %get3A_895 : vector<1x16xf32> to vector<16xf32>
      %get3A_897 = arith.index_cast %add3A_888 : i32 to index
      %get3A_898 = arith.constant 0 : index
      %get3A_899 = tpu.vector_load %arg13[%get3A_897, %get3A_898] {strides = array<i32>} : memref<512x32xf32, #tpu.memory_space<vmem>>, vector<1x16xf32>,
      %get3A_900 = vector.shape_cast %get3A_899 : vector<1x16xf32> to vector<16xf32>
      %get3A_901 = arith.index_cast %add3A_888 : i32 to index
      %get3A_902 = arith.constant 16 : index
      %get3A_903 = tpu.vector_load %arg13[%get3A_901, %get3A_902] {strides = array<i32>} : memref<512x32xf32, #tpu.memory_space<vmem>>, vector<1x16xf32>,
      %get3A_904 = vector.shape_cast %get3A_903 : vector<1x16xf32> to vector<16xf32>
      %mul3A_905 = arith.mulf %get3A_892, %get3A_900 : vector<16xf32>
      %mul3A_906 = arith.mulf %get3A_896, %get3A_904 : vector<16xf32>
      %add3A_907 = arith.addf %mul3A_905, %mul3A_906 : vector<16xf32>
      %broadcast_in_dim3A_908 = vector.shape_cast %xor3A_379 : vector<16xi32> to vector<16x1xi32>
      %gather3A_909 = vector.shape_cast %broadcast_in_dim3A_908 : vector<16x1xi32> to vector<16xi32>
      %gather3A_910 = tpu.dynamic_gather %add3A_907[%gather3A_909] in [0] : vector<16xf32>, vector<16xi32> -> vector<16xf32>
      %add3A_911 = arith.addf %add3A_907, %gather3A_910 : vector<16xf32>
      %broadcast_in_dim3A_912 = vector.shape_cast %xor3A_382 : vector<16xi32> to vector<16x1xi32>
      %gather3A_913 = vector.shape_cast %broadcast_in_dim3A_912 : vector<16x1xi32> to vector<16xi32>
      %gather3A_914 = tpu.dynamic_gather %add3A_911[%gather3A_913] in [0] : vector<16xf32>, vector<16xi32> -> vector<16xf32>
      %add3A_915 = arith.addf %add3A_911, %gather3A_914 : vector<16xf32>
      %broadcast_in_dim3A_916 = vector.shape_cast %xor3A_385 : vector<16xi32> to vector<16x1xi32>
      %gather3A_917 = vector.shape_cast %broadcast_in_dim3A_916 : vector<16x1xi32> to vector<16xi32>
      %gather3A_918 = tpu.dynamic_gather %add3A_915[%gather3A_917] in [0] : vector<16xf32>, vector<16xi32> -> vector<16xf32>
      %add3A_919 = arith.addf %add3A_915, %gather3A_918 : vector<16xf32>
      %broadcast_in_dim3A_920 = vector.shape_cast %xor3A_388 : vector<16xi32> to vector<16x1xi32>
      %gather3A_921 = vector.shape_cast %broadcast_in_dim3A_920 : vector<16x1xi32> to vector<16xi32>
      %gather3A_922 = tpu.dynamic_gather %add3A_919[%gather3A_921] in [0] : vector<16xf32>, vector<16xi32> -> vector<16xf32>
      %add3A_923 = arith.addf %add3A_919, %gather3A_922 : vector<16xf32>
      %eq3A_924 = arith.constant 12 : i32
      %eq3A_925 = vector.broadcast %eq3A_924 : i32 to vector<16xi32>
      %eq3A_926 = arith.cmpi eq, %iota3A, %eq3A_925 : vector<16xi32>
      %select_n3A_927 = arith.select %eq3A_926, %add3A_923, %select_n3A_886 : vector<16xi1>, vector<16xf32>
      %add3A_928 = arith.constant 13 : i32
      %add3A_929 = arith.addi %mul3A_396, %add3A_928 : i32
      %get3A_930 = arith.index_cast %add3A_929 : i32 to index
      %get3A_931 = arith.constant 0 : index
      %get3A_932 = tpu.vector_load %arg12[%get3A_930, %get3A_931] {strides = array<i32>} : memref<512x32xf32, #tpu.memory_space<vmem>>, vector<1x16xf32>,
      %get3A_933 = vector.shape_cast %get3A_932 : vector<1x16xf32> to vector<16xf32>
      %get3A_934 = arith.index_cast %add3A_929 : i32 to index
      %get3A_935 = arith.constant 16 : index
      %get3A_936 = tpu.vector_load %arg12[%get3A_934, %get3A_935] {strides = array<i32>} : memref<512x32xf32, #tpu.memory_space<vmem>>, vector<1x16xf32>,
      %get3A_937 = vector.shape_cast %get3A_936 : vector<1x16xf32> to vector<16xf32>
      %get3A_938 = arith.index_cast %add3A_929 : i32 to index
      %get3A_939 = arith.constant 0 : index
      %get3A_940 = tpu.vector_load %arg13[%get3A_938, %get3A_939] {strides = array<i32>} : memref<512x32xf32, #tpu.memory_space<vmem>>, vector<1x16xf32>,
      %get3A_941 = vector.shape_cast %get3A_940 : vector<1x16xf32> to vector<16xf32>
      %get3A_942 = arith.index_cast %add3A_929 : i32 to index
      %get3A_943 = arith.constant 16 : index
      %get3A_944 = tpu.vector_load %arg13[%get3A_942, %get3A_943] {strides = array<i32>} : memref<512x32xf32, #tpu.memory_space<vmem>>, vector<1x16xf32>,
      %get3A_945 = vector.shape_cast %get3A_944 : vector<1x16xf32> to vector<16xf32>
      %mul3A_946 = arith.mulf %get3A_933, %get3A_941 : vector<16xf32>
      %mul3A_947 = arith.mulf %get3A_937, %get3A_945 : vector<16xf32>
      %add3A_948 = arith.addf %mul3A_946, %mul3A_947 : vector<16xf32>
      %broadcast_in_dim3A_949 = vector.shape_cast %xor3A_379 : vector<16xi32> to vector<16x1xi32>
      %gather3A_950 = vector.shape_cast %broadcast_in_dim3A_949 : vector<16x1xi32> to vector<16xi32>
      %gather3A_951 = tpu.dynamic_gather %add3A_948[%gather3A_950] in [0] : vector<16xf32>, vector<16xi32> -> vector<16xf32>
      %add3A_952 = arith.addf %add3A_948, %gather3A_951 : vector<16xf32>
      %broadcast_in_dim3A_953 = vector.shape_cast %xor3A_382 : vector<16xi32> to vector<16x1xi32>
      %gather3A_954 = vector.shape_cast %broadcast_in_dim3A_953 : vector<16x1xi32> to vector<16xi32>
      %gather3A_955 = tpu.dynamic_gather %add3A_952[%gather3A_954] in [0] : vector<16xf32>, vector<16xi32> -> vector<16xf32>
      %add3A_956 = arith.addf %add3A_952, %gather3A_955 : vector<16xf32>
      %broadcast_in_dim3A_957 = vector.shape_cast %xor3A_385 : vector<16xi32> to vector<16x1xi32>
      %gather3A_958 = vector.shape_cast %broadcast_in_dim3A_957 : vector<16x1xi32> to vector<16xi32>
      %gather3A_959 = tpu.dynamic_gather %add3A_956[%gather3A_958] in [0] : vector<16xf32>, vector<16xi32> -> vector<16xf32>
      %add3A_960 = arith.addf %add3A_956, %gather3A_959 : vector<16xf32>
      %broadcast_in_dim3A_961 = vector.shape_cast %xor3A_388 : vector<16xi32> to vector<16x1xi32>
      %gather3A_962 = vector.shape_cast %broadcast_in_dim3A_961 : vector<16x1xi32> to vector<16xi32>
      %gather3A_963 = tpu.dynamic_gather %add3A_960[%gather3A_962] in [0] : vector<16xf32>, vector<16xi32> -> vector<16xf32>
      %add3A_964 = arith.addf %add3A_960, %gather3A_963 : vector<16xf32>
      %eq3A_965 = arith.constant 13 : i32
      %eq3A_966 = vector.broadcast %eq3A_965 : i32 to vector<16xi32>
      %eq3A_967 = arith.cmpi eq, %iota3A, %eq3A_966 : vector<16xi32>
      %select_n3A_968 = arith.select %eq3A_967, %add3A_964, %select_n3A_927 : vector<16xi1>, vector<16xf32>
      %add3A_969 = arith.constant 14 : i32
      %add3A_970 = arith.addi %mul3A_396, %add3A_969 : i32
      %get3A_971 = arith.index_cast %add3A_970 : i32 to index
      %get3A_972 = arith.constant 0 : index
      %get3A_973 = tpu.vector_load %arg12[%get3A_971, %get3A_972] {strides = array<i32>} : memref<512x32xf32, #tpu.memory_space<vmem>>, vector<1x16xf32>,
      %get3A_974 = vector.shape_cast %get3A_973 : vector<1x16xf32> to vector<16xf32>
      %get3A_975 = arith.index_cast %add3A_970 : i32 to index
      %get3A_976 = arith.constant 16 : index
      %get3A_977 = tpu.vector_load %arg12[%get3A_975, %get3A_976] {strides = array<i32>} : memref<512x32xf32, #tpu.memory_space<vmem>>, vector<1x16xf32>,
      %get3A_978 = vector.shape_cast %get3A_977 : vector<1x16xf32> to vector<16xf32>
      %get3A_979 = arith.index_cast %add3A_970 : i32 to index
      %get3A_980 = arith.constant 0 : index
      %get3A_981 = tpu.vector_load %arg13[%get3A_979, %get3A_980] {strides = array<i32>} : memref<512x32xf32, #tpu.memory_space<vmem>>, vector<1x16xf32>,
      %get3A_982 = vector.shape_cast %get3A_981 : vector<1x16xf32> to vector<16xf32>
      %get3A_983 = arith.index_cast %add3A_970 : i32 to index
      %get3A_984 = arith.constant 16 : index
      %get3A_985 = tpu.vector_load %arg13[%get3A_983, %get3A_984] {strides = array<i32>} : memref<512x32xf32, #tpu.memory_space<vmem>>, vector<1x16xf32>,
      %get3A_986 = vector.shape_cast %get3A_985 : vector<1x16xf32> to vector<16xf32>
      %mul3A_987 = arith.mulf %get3A_974, %get3A_982 : vector<16xf32>
      %mul3A_988 = arith.mulf %get3A_978, %get3A_986 : vector<16xf32>
      %add3A_989 = arith.addf %mul3A_987, %mul3A_988 : vector<16xf32>
      %broadcast_in_dim3A_990 = vector.shape_cast %xor3A_379 : vector<16xi32> to vector<16x1xi32>
      %gather3A_991 = vector.shape_cast %broadcast_in_dim3A_990 : vector<16x1xi32> to vector<16xi32>
      %gather3A_992 = tpu.dynamic_gather %add3A_989[%gather3A_991] in [0] : vector<16xf32>, vector<16xi32> -> vector<16xf32>
      %add3A_993 = arith.addf %add3A_989, %gather3A_992 : vector<16xf32>
      %broadcast_in_dim3A_994 = vector.shape_cast %xor3A_382 : vector<16xi32> to vector<16x1xi32>
      %gather3A_995 = vector.shape_cast %broadcast_in_dim3A_994 : vector<16x1xi32> to vector<16xi32>
      %gather3A_996 = tpu.dynamic_gather %add3A_993[%gather3A_995] in [0] : vector<16xf32>, vector<16xi32> -> vector<16xf32>
      %add3A_997 = arith.addf %add3A_993, %gather3A_996 : vector<16xf32>
      %broadcast_in_dim3A_998 = vector.shape_cast %xor3A_385 : vector<16xi32> to vector<16x1xi32>
      %gather3A_999 = vector.shape_cast %broadcast_in_dim3A_998 : vector<16x1xi32> to vector<16xi32>
      %gather3A_1000 = tpu.dynamic_gather %add3A_997[%gather3A_999] in [0] : vector<16xf32>, vector<16xi32> -> vector<16xf32>
      %add3A_1001 = arith.addf %add3A_997, %gather3A_1000 : vector<16xf32>
      %broadcast_in_dim3A_1002 = vector.shape_cast %xor3A_388 : vector<16xi32> to vector<16x1xi32>
      %gather3A_1003 = vector.shape_cast %broadcast_in_dim3A_1002 : vector<16x1xi32> to vector<16xi32>
      %gather3A_1004 = tpu.dynamic_gather %add3A_1001[%gather3A_1003] in [0] : vector<16xf32>, vector<16xi32> -> vector<16xf32>
      %add3A_1005 = arith.addf %add3A_1001, %gather3A_1004 : vector<16xf32>
      %eq3A_1006 = arith.constant 14 : i32
      %eq3A_1007 = vector.broadcast %eq3A_1006 : i32 to vector<16xi32>
      %eq3A_1008 = arith.cmpi eq, %iota3A, %eq3A_1007 : vector<16xi32>
      %select_n3A_1009 = arith.select %eq3A_1008, %add3A_1005, %select_n3A_968 : vector<16xi1>, vector<16xf32>
      %add3A_1010 = arith.constant 15 : i32
      %add3A_1011 = arith.addi %mul3A_396, %add3A_1010 : i32
      %get3A_1012 = arith.index_cast %add3A_1011 : i32 to index
      %get3A_1013 = arith.constant 0 : index
      %get3A_1014 = tpu.vector_load %arg12[%get3A_1012, %get3A_1013] {strides = array<i32>} : memref<512x32xf32, #tpu.memory_space<vmem>>, vector<1x16xf32>,
      %get3A_1015 = vector.shape_cast %get3A_1014 : vector<1x16xf32> to vector<16xf32>
      %get3A_1016 = arith.index_cast %add3A_1011 : i32 to index
      %get3A_1017 = arith.constant 16 : index
      %get3A_1018 = tpu.vector_load %arg12[%get3A_1016, %get3A_1017] {strides = array<i32>} : memref<512x32xf32, #tpu.memory_space<vmem>>, vector<1x16xf32>,
      %get3A_1019 = vector.shape_cast %get3A_1018 : vector<1x16xf32> to vector<16xf32>
      %get3A_1020 = arith.index_cast %add3A_1011 : i32 to index
      %get3A_1021 = arith.constant 0 : index
      %get3A_1022 = tpu.vector_load %arg13[%get3A_1020, %get3A_1021] {strides = array<i32>} : memref<512x32xf32, #tpu.memory_space<vmem>>, vector<1x16xf32>,
      %get3A_1023 = vector.shape_cast %get3A_1022 : vector<1x16xf32> to vector<16xf32>
      %get3A_1024 = arith.index_cast %add3A_1011 : i32 to index
      %get3A_1025 = arith.constant 16 : index
      %get3A_1026 = tpu.vector_load %arg13[%get3A_1024, %get3A_1025] {strides = array<i32>} : memref<512x32xf32, #tpu.memory_space<vmem>>, vector<1x16xf32>,
      %get3A_1027 = vector.shape_cast %get3A_1026 : vector<1x16xf32> to vector<16xf32>
      %mul3A_1028 = arith.mulf %get3A_1015, %get3A_1023 : vector<16xf32>
      %mul3A_1029 = arith.mulf %get3A_1019, %get3A_1027 : vector<16xf32>
      %add3A_1030 = arith.addf %mul3A_1028, %mul3A_1029 : vector<16xf32>
      %broadcast_in_dim3A_1031 = vector.shape_cast %xor3A_379 : vector<16xi32> to vector<16x1xi32>
      %gather3A_1032 = vector.shape_cast %broadcast_in_dim3A_1031 : vector<16x1xi32> to vector<16xi32>
      %gather3A_1033 = tpu.dynamic_gather %add3A_1030[%gather3A_1032] in [0] : vector<16xf32>, vector<16xi32> -> vector<16xf32>
      %add3A_1034 = arith.addf %add3A_1030, %gather3A_1033 : vector<16xf32>
      %broadcast_in_dim3A_1035 = vector.shape_cast %xor3A_382 : vector<16xi32> to vector<16x1xi32>
      %gather3A_1036 = vector.shape_cast %broadcast_in_dim3A_1035 : vector<16x1xi32> to vector<16xi32>
      %gather3A_1037 = tpu.dynamic_gather %add3A_1034[%gather3A_1036] in [0] : vector<16xf32>, vector<16xi32> -> vector<16xf32>
      %add3A_1038 = arith.addf %add3A_1034, %gather3A_1037 : vector<16xf32>
      %broadcast_in_dim3A_1039 = vector.shape_cast %xor3A_385 : vector<16xi32> to vector<16x1xi32>
      %gather3A_1040 = vector.shape_cast %broadcast_in_dim3A_1039 : vector<16x1xi32> to vector<16xi32>
      %gather3A_1041 = tpu.dynamic_gather %add3A_1038[%gather3A_1040] in [0] : vector<16xf32>, vector<16xi32> -> vector<16xf32>
      %add3A_1042 = arith.addf %add3A_1038, %gather3A_1041 : vector<16xf32>
      %broadcast_in_dim3A_1043 = vector.shape_cast %xor3A_388 : vector<16xi32> to vector<16x1xi32>
      %gather3A_1044 = vector.shape_cast %broadcast_in_dim3A_1043 : vector<16x1xi32> to vector<16xi32>
      %gather3A_1045 = tpu.dynamic_gather %add3A_1042[%gather3A_1044] in [0] : vector<16xf32>, vector<16xi32> -> vector<16xf32>
      %add3A_1046 = arith.addf %add3A_1042, %gather3A_1045 : vector<16xf32>
      %eq3A_1047 = arith.constant 15 : i32
      %eq3A_1048 = vector.broadcast %eq3A_1047 : i32 to vector<16xi32>
      %eq3A_1049 = arith.cmpi eq, %iota3A, %eq3A_1048 : vector<16xi32>
      %select_n3A_1050 = arith.select %eq3A_1049, %add3A_1046, %select_n3A_1009 : vector<16xi1>, vector<16xf32>
      %get3A_1051 = arith.index_cast %mul3A_396 : i32 to index
      %get3A_1052 = tpu.vector_load %arg14[%get3A_1051] {strides = array<i32>} : memref<512xf32, #tpu.memory_space<vmem>>, vector<16xf32>,
      %get3A_1053 = vector.shape_cast %get3A_1052 : vector<16xf32> to vector<16xf32>
      %add3A_1054 = arith.addf %select_n3A_1050, %get3A_1053 : vector<16xf32>
      %get3A_1055 = arith.index_cast %mul3A_396 : i32 to index
      %get3A_1056 = tpu.vector_load %arg15[%get3A_1055] {strides = array<i32>} : memref<512xf32, #tpu.memory_space<vmem>>, vector<16xf32>,
      %get3A_1057 = vector.shape_cast %get3A_1056 : vector<16xf32> to vector<16xf32>
      %add3A_1058 = arith.addf %add3A_1054, %get3A_1057 : vector<16xf32>
      %add3A_1059 = arith.addf %add3A_1058, %get3A_377 : vector<16xf32>
      %swap3A = arith.index_cast %mul3A_396 : i32 to index
      %swap3A_1060 = tpu.vector_load %arg17[%swap3A] {strides = array<i32>} : memref<512xf32, #tpu.memory_space<vmem>>, vector<16xf32>,
      %swap3A_1061 = vector.shape_cast %swap3A_1060 : vector<16xf32> to vector<16xf32>
      %swap3A_1062 = vector.shape_cast %add3A_1059 : vector<16xf32> to vector<16xf32>
      tpu.vector_store %arg17[%swap3A], %swap3A_1062 {strides = array<i32>} : memref<512xf32, #tpu.memory_space<vmem>>, vector<16xf32>,
    }
    %scan3A_393 = arith.constant 32 : i32
    "tpu.region"() ({
      %run_scoped3A_394 = tpu.sem_alloc : memref<!tpu.dma_semaphore, #tpu.memory_space<semaphore_mem>>
      %dma_start3A_395 = tpu.memref_slice %arg9[%mul3A_2] : memref<16384xf32, #tpu.memory_space<hbm>> -> memref<512xf32, #tpu.memory_space<hbm>>
      %dma_start3A_396 = tpu.memref_slice %arg9[%mul3A_2] : memref<16384xf32, #tpu.memory_space<hbm>> -> memref<512xf32, #tpu.memory_space<hbm>>
      tpu.enqueue_dma source(%arg17 : memref<512xf32, #tpu.memory_space<vmem>>) target(%dma_start3A_396 : memref<512xf32, #tpu.memory_space<hbm>>) target_semaphore(%run_scoped3A_394 : memref<!tpu.dma_semaphore, #tpu.memory_space<semaphore_mem>>)
      %dma_wait3A_397 = tpu.memref_slice %arg9[%mul3A_2] : memref<16384xf32, #tpu.memory_space<hbm>> -> memref<512xf32, #tpu.memory_space<hbm>>
      %dma_wait3A_398 = tpu.memref_slice %arg9[%mul3A_2] : memref<16384xf32, #tpu.memory_space<hbm>> -> memref<512xf32, #tpu.memory_space<hbm>>
      tpu.wait_dma2 semaphore(%run_scoped3A_394 : memref<!tpu.dma_semaphore, #tpu.memory_space<semaphore_mem>>) src(%arg17 : memref<512xf32, #tpu.memory_space<vmem>>) dst(%dma_wait3A_398 : memref<512xf32, #tpu.memory_space<hbm>>)
      tpu.yield
    }) : () -> ()
    return
  }
}

</mosaic_0001>

<sc_bundles>
// kernel: kernel.3.cloned.1.call-start
scs
__scs_entry_jumppad:
0x0: {  	(pc) =	sbr.rel $0x88, $3  }
0x1: {  	(tag) =	ssettag $0x0;
	lr =	simm.s32 $0x1  }
0x2: {  	[smem:$0x3F9A] =	sst lr;
	_ =	strace $0xD0000000  }
0x3: {  	_ = 	snop  }
0x4: {  	_ = 	snop  }
0x5: {  	_ = 	snop  }
0x6: {  	_ = 	snop  }
0x7: {  	_ = 	snop  }
__scs_overlays_trampoline_lowered:
0x8: {  	[smem:$0x3FA9] =	sst s0  }
0x9: {  	[smem:$0x3FAA] =	sst s1  }
0xa: {  	[smem:$0x3FAB] =	sst s2  }
0xb: {  	[smem:$0x3FAC] =	sst s3  }
0xc: {  	[smem:$0x3FAD] =	sst s4  }
0xd: {  	[smem:$0x3FAE] =	sst s5  }
0xe: {  	[smem:$0x3FAF] =	sst s6  }
0xf: {  	[smem:$0x3FB0] =	sst s7  }
0x10: {  	[smem:$0x3FB1] =	sst s8  }
0x11: {  	[smem:$0x3FB2] =	sst s9;
	s0 =	simm.s32 @!p0 $0x0  }
0x12: {  	s1 =	sld [smem:$0x3F98];
	s0 =	simm.s32 @p0 $0x1  }
0x13: {  	[smem:$0x3FB3] =	sst s0;
	s0 =	simm.s32 @!p1 $0x0  }
0x14: {  	s2 =	sld [smem:$0x3F97];
	s0 =	simm.s32 @p1 $0x1  }
0x15: {  	[smem:$0x3FB4] =	sst s0;
	s0 =	simm.s32 @!p2 $0x0  }
0x16: {  	s3 =	sld [smem:$0x3FDB];
	s0 =	simm.s32 @p2 $0x1  }
0x17: {  	s4 =	simm.s32 $0x1BF5;
	[smem:$0x3FB6] =	sst s0  }
0x18: {  	s0 =	sld [smem:$0x3F99];
	_ =	swait.ge [sflag:s4], $0x0  }
0x19: {  	s7 =	sld [smem:$0x3F9A]  }
0x1a: {  	s8 =	sadd.s32 $0xFFFFE003, lr  }
0x1b: {  	s9 =	sadd.s32 $0xFFFFFEF7, lr;
	s5 =	simm.s32 $0xFFFFFFFF;
	p2 =	slt.u32 s8, $0xFFFFF086  }
0x1c: {  	p1 =	slt.u32 s9, $0xF7A;
	s5 =	simm.s32 @!p2 $0x0  }
0x1d: {  	s5 =	simm.s32 @p1 $0x1;
	p0 =	seq.s32 s7, s2  }
0x1e: {  	s7 =	smul.u32 @!p0 $0xF7A, s2;
	p2 =	seq.s32 @!p0 s5, $0x0  }
0x1f: {  	s9 =	smul.u32 $0xF7A, s1;
	s8 =	simm.s32 @!p0 $0x1BF5;
	p2 =	por !p2, p0  }
0x20: {  	[sflag:s8] =	ssyncset.s32 @!p0 $0xFFFFF086;
	s6 =	sadd.s32 @!p0 s3, s7;
	s7 =	simm.s32 @!p0 $0x108  }
0x21: {  	s3 =	sadd.s32 s3, s9;
	s6 =	sadd.s32 @!p0 $0x88, s6;
	s7 =	simm.s32 @p2 $0x1082  }
0x22: {  	[simem:s7], [sflag:s8] =	dma.local @!p0 [hbm:s6], $0xF7A  }
0x23: {  	s9 =	sor.u32 $0xD0000000, s2;
	s6 =	simm.s32 $0x108;
	_ =	swait.ge @!p0 [sflag:s8], $0x0  }
0x24: {  	s3 =	sadd.s32 $0x88, s3;
	s6 =	simm.s32 @!p1 $0x1082;
	[sflag:s4] =	ssyncset.s32 $0xFFFFF086  }
0x25: {  	[simem:s6], [sflag:s4] =	dma.local [hbm:s3], $0xF7A  }
0x26: {  	[smem:$0x3F9A] =	sst s1;
	(tag) =	ssettag s2;
	_ =	strace s9  }
0x27: {  	s1 =	sld [smem:$0x3FAA]  }
0x28: {  	s2 =	sld [smem:$0x3FAB]  }
0x29: {  	s4 =	sld [smem:$0x3FAD]  }
0x2a: {  	p0 =	seq.s32 s5, $0x0;
	s5 =	sld [smem:$0x3FAE]  }
0x2b: {  	s6 =	sld [smem:$0x3FAF]  }
0x2c: {  	s7 =	sld [smem:$0x3FB0]  }
0x2d: {  	s3 =	simm.s32 $0x108;
	s8 =	sld [smem:$0x3FB1]  }
0x2e: {  	s3 =	simm.s32 @!p0 $0x1082;
	s9 =	sld [smem:$0x3FB2]  }
0x2f: {  	lr =	sadd.s32 s0, s3;
	s0 =	sld [smem:$0x3FA9]  }
0x30: {  	s3 =	sld [smem:$0x3FAC]  }
0x31: {  	[smem:$0x3FB5] =	sst s10  }
0x32: {  	s10 =	sld [smem:$0x3FB3];
	_ =	sdelay $0x3  }
0x33: {  	p0 =	seq.s32 s10, $0x1;
	s10 =	sld [smem:$0x3FB5];
	_ =	sdelay $0x3  }
0x34: {  	[smem:$0x3FB5] =	sst s10  }
0x35: {  	s10 =	sld [smem:$0x3FB4];
	_ =	sdelay $0x3  }
0x36: {  	p1 =	seq.s32 s10, $0x1;
	s10 =	sld [smem:$0x3FB5];
	_ =	sdelay $0x3  }
0x37: {  	[smem:$0x3FB5] =	sst s10  }
0x38: {  	s10 =	sld [smem:$0x3FB6]  }
0x39: {  	_ = 	snop;
	(pc) =	sbr.ind lr, $3  }
0x3a: {  	_ = 	snop  }
0x3b: {  	_ = 	snop  }
0x3c: {  	p2 =	seq.s32 s10, $0x1;
	s10 =	sld [smem:$0x3FB5]  }
0x3d: {  	_ =	shalt  }
0x3e: {  	_ =	shalt  }
0x3f: {  	_ =	shalt  }
0x40: {  	_ =	shalt  }
0x41: {  	_ =	shalt  }
0x42: {  	_ =	shalt  }
0x43: {  	_ =	shalt  }
0x44: {  	_ =	shalt  }
0x45: {  	_ =	shalt  }
0x46: {  	_ =	shalt  }
0x47: {  	_ =	shalt  }
0x48: {  	_ =	shalt  }
0x49: {  	_ =	shalt  }
0x4a: {  	_ =	shalt  }
0x4b: {  	_ =	shalt  }
0x4c: {  	_ =	shalt  }
0x4d: {  	_ =	shalt  }
0x4e: {  	_ =	shalt  }
0x4f: {  	_ =	shalt  }
0x50: {  	_ =	shalt  }
0x51: {  	_ =	shalt  }
0x52: {  	_ =	shalt  }
0x53: {  	_ =	shalt  }
0x54: {  	_ =	shalt  }
0x55: {  	_ =	shalt  }
0x56: {  	_ =	shalt  }
0x57: {  	_ =	shalt  }
0x58: {  	_ =	shalt  }
0x59: {  	_ =	shalt  }
0x5a: {  	_ =	shalt  }
0x5b: {  	_ =	shalt  }
0x5c: {  	_ =	shalt  }
0x5d: {  	_ =	shalt  }
0x5e: {  	_ =	shalt  }
0x5f: {  	_ =	shalt  }
0x60: {  	_ =	shalt  }
0x61: {  	_ =	shalt  }
0x62: {  	_ =	shalt  }
0x63: {  	_ =	shalt  }
0x64: {  	_ =	shalt  }
0x65: {  	_ =	shalt  }
0x66: {  	_ =	shalt  }
0x67: {  	_ =	shalt  }
0x68: {  	_ =	shalt  }
0x69: {  	_ =	shalt  }
0x6a: {  	_ =	shalt  }
0x6b: {  	_ =	shalt  }
0x6c: {  	_ =	shalt  }
0x6d: {  	_ =	shalt  }
0x6e: {  	_ =	shalt  }
0x6f: {  	_ =	shalt  }
0x70: {  	_ =	shalt  }
0x71: {  	_ =	shalt  }
0x72: {  	_ =	shalt  }
0x73: {  	_ =	shalt  }
0x74: {  	_ =	shalt  }
0x75: {  	_ =	shalt  }
0x76: {  	_ =	shalt  }
0x77: {  	_ =	shalt  }
0x78: {  	_ =	shalt  }
0x79: {  	_ =	shalt  }
0x7a: {  	_ =	shalt  }
0x7b: {  	_ =	shalt  }
0x7c: {  	_ =	shalt  }
0x7d: {  	_ =	shalt  }
0x7e: {  	_ =	shalt  }
0x7f: {  	_ =	shalt  }
0x80: {  	_ =	shalt  }
0x81: {  	_ =	shalt  }
0x82: {  	_ =	shalt  }
0x83: {  	_ =	shalt  }
0x84: {  	_ =	shalt  }
0x85: {  	_ =	shalt  }
0x86: {  	_ =	shalt  }
0x87: {  	_ =	shalt  }
.Lfunc_end0:
.L_simem_size_0:
called_computation_lowered:
.L_overlay_start_0:
0x88: {  	s2 =	sld [smem:$0x3FD9]  }
0x89: {  	s3 =	sld [smem:$0x3FFE];
	_ =	sdelay $0x1  }
0x8a: {  	s1 =	srdreg.scid  }
0x8b: {  	s0 =	sand.u32 $0x1, s1  }
0x8c: {  	s17 =	sshll.u32 s0, $0xA;
	s2 =	sadd.s32 s3, s2  }
0x8d: {  	s2 =	sadd.s32 s2, s17  }
0x8e: {  	[smem:$0x3FC1] =	sst s2  }
0x8f: {  	_ = 	snop  }
0x90: {  	s2 =	sld [smem:$0x3FC9]  }
0x91: {  	s18 =	sld [smem:$0x3FC8]  }
0x92: {  	s4 =	sld [smem:$0x3FD0];
	(tm) =	ssettm $0x1  }
0x93: {  	s5 =	sld [smem:$0x3FFB];
	_ =	sdelay $0x3  }
0x94: {  	_ =	strace s5  }
0x95: {  	s5 =	sld [smem:$0x3FFC];
	_ =	sdelay $0x3  }
0x96: {  	_ =	strace s5  }
0x97: {  	s5 =	sld [smem:$0x3FFD];
	_ =	sdelay $0x3  }
0x98: {  	_ =	strace s5  }
0x99: {  	_ =	strace $0x8FFFFFFF  }
0x9a: {  	s19 =	sld [smem:$0x3FDB];
	_ =	sdelay $0x1  }
0x9b: {  	s6 =	simm.s32 $_scs_section_size  }
0x9c: {  	s7 =	simm.s32 $_size__tile_overlayer_lowered;
	s8 =	simm.s32 $_tile_overlayer_lowered  }
0x9d: {  	s22 =	simm.s32 $0x1BFF;
	s21 =	sshll.u32 s8, $0x1;
	s5 =	sadd.s32 s6, s19  }
0x9e: {  	s9 =	simm.s32 $0x0;
	s20 =	sshll.u32 s7, $0x1;
	s7 =	sadd.s32 s21, s5  }
0x9f: {  	[timem:s9], [sflag:s22] =	dma.local [hbm:s7], s20  }
0xa0: {  	_ =	swait.ge [sflag:s22], s20  }
0xa1: {  	s6 =	ssub.s32 $0x0, s20;
	[sflag:s22] =	ssyncset.done $0x0  }
0xa2: {  	[sflag:s22] =	ssyncadd.s32 s6;
	_ =	sdelay $0x1  }
0xa3: {  	s23 =	simm.s32 $0x1B8B  }
0xa4: {  	_ =	swait.ge [sflag:s23], $0x1  }
0xa5: {  	[sflag:s23] =	ssyncset.done $0x0  }
0xa6: {  	s25 =	simm.s32 $0x1B8E;
	s24 =	sld [smem:$0x3FFE];
	[sflag:s23] =	ssyncadd.s32 $0xFFFFFFFF  }
0xa7: {  	s26 =	simm.s32 $execute0_lowered;
	[smem:$0x3FD2] =	sst s25  }
0xa8: {  	s7 =	sshll.u32 s26, $0x1;
	_ =	strace $0x80000046;
	[dreg:$0x1] =	wrdreg $0xFFFFFFFF  }
0xa9: {  	s28 =	simm.s32 $_size_execute0_lowered;
	s5 =	sadd.s32 s5, s7;
	[dreg:$0x0] =	wrdreg $0x0  }
0xaa: {  	s7 =	sshll.u32 s28, $0x1;
	[dreg:$0x2] =	wrdreg s5  }
0xab: {  	[dreg:$0x3] =	wrdreg s7  }
0xac: {  	[dreg:$0x4] =	wrdreg $0xC0  }
0xad: {  	_ =	task [dreg:s9], $0x5FFFF  }
0xae: {  	[dreg:$0x1] =	wrdreg $0xFFFFFFFF  }
0xaf: {  	[dreg:$0x0] =	wrdreg $0x60  }
0xb0: {  	[dreg:$0x2] =	wrdreg s2  }
0xb1: {  	[dreg:$0x3] =	wrdreg s18  }
0xb2: {  	[dreg:$0x4] =	wrdreg s24  }
0xb3: {  	[dreg:$0x5] =	wrdreg s4  }
0xb4: {  	[dreg:$0x6] =	wrdreg $0x9  }
0xb5: {  	_ =	task.clear_ibuf [dreg:s9], $0x7FFFF;
	_ =	strace $0x90000046  }
0xb6: {  	s29 =	simm.s32 $0x9;
	_ =	strace $0x80000048  }
0xb7: {  	_ =	swait.ge [sflag:s29], $0x1  }
0xb8: {  	[sflag:s29] =	ssyncadd.s32 $0xFFFFFFFF  }
0xb9: {  	_ =	strace $0x90000048  }
0xba: {  	_ =	sfence  }
0xbb: {  	s30 =	sld [smem:$0x0];
	_ =	sdelay $0x2  }
0xbc: {  	s31 =	sshll.u32 s1, $0xD;
	s1 =	sshrl.u32 s1, $0x2  }
0xbd: {  	s3 =	sand.u32 $0x4000, s31;
	s1 =	sadd.s32 s1, s30  }
0xbe: {  	s0 =	sor.u32 s3, s0;
	s1 =	sshll.u32 s1, $0x11  }
0xbf: {  	s0 =	sor.u32 s1, s0  }
0xc0: {  	s0 =	sadd.s32 $0x8F2B, s0  }
0xc1: {  	[sflag:s0] =	ssyncadd.remote.s32 $0x1  }
0xc2: {  	_ =	sfence.sel $0xFFFF  }
0xc3: {  	[dreg:$0x0] =	wrdreg $0xFFFFFFFF;
	(pc) =	sbr.abs _section_cstart, $3  }
0xc4: {  	[dreg:$0x1] =	wrdreg $0xFFFFFFFF  }
0xc5: {  	_ =	task.clear_ibuf [dreg:s9], $0x2FFFF;
	_ =	strace $0x9FFFFFFF  }
0xc6: {  	(tm) =	ssettm $0x7FFFFFFF  }
0xc7: {  	_ =	shalt  }
tec
execute0_lowered:
.L_overlay_start_1:
0x0: {  	(tag) =	ssettag $0x1  }
0x1: {  	s0 =	rddreg [dreg:$0x0]  }
0x2: {  	s4 =	rddreg [dreg:$0x1];
	v0 =	vimm.s32 $0xEFCDAB89;
	v1 =	vimm.s32 $0x67452301  }
0x3: {  	s1 =	rddreg [dreg:$0x2];
	v2 =	vimm.s32 $0xDCFE98BA;
	v3 =	vimm.s32 $0x54761032;
	v4 =	vimm.s32 $0xBA98FEDC  }
0x4: {  	s16 =	rddreg [dreg:$0x3];
	s2 =	simm.s32 $0x0;
	v5 =	vimm.s32 $0x32107654;
	v6 =	vimm.s32 $0xFEDCBA98;
	v7 =	vimm.s32 $0x76543210  }
0x5: {  	s7 =	srdreg.scid;
	s9 =	stileid.u32;
	s19 =	simm.s32 $0x200;
	vm0 =	vmmov $0x1;
	vm1 =	vmmov $0x3;
	vm2 =	vmmov $0x7  }
0x6: {  	s20 =	simm.s32 $0x80;
	s21 =	simm.s32 $0x280;
	s22 =	simm.s32 $0x100;
	vm3 =	vmmov $0xf;
	vm4 =	vmmov $0x1f;
	vm5 =	vmmov $0x3f  }
0x7: {  	s23 =	simm.s32 $0x300;
	s24 =	simm.s32 $0x180;
	s25 =	simm.s32 $0x380;
	vm6 =	vmmov $0x7f;
	vm7 =	vmmov $0xff;
	vm8 =	vmmov $0x1ff  }
0x8: {  	vm9 =	vmmov $0x3ff;
	s30 =	simm.s32 $0x1;
	[smem:$0x7FF] =	sst s2;
	s3 =	sadd.s32 $0x1313000, s1;
	v0 =	vunpack.c.l.s4.s8 v0;
	v1 =	vunpack.c.l.s4.s8 v1  }
0x9: {  	s5 =	sadd.s32 $0xF42600, s1;
	s6 =	sadd.s32 $0x1EA00, s1;
	s7 =	sand.u32 $0x1, s7;
	v2 =	vunpack.c.l.s4.s8 v2;
	v3 =	vunpack.c.l.s4.s8 v3;
	v4 =	vunpack.c.l.s4.s8 v4  }
0xa: {  	s9 =	sshll.u32 s9, $0x7;
	s29 =	sadd.s32 $0x3D400, s1;
	v5 =	vunpack.c.l.s4.s8 v5;
	v6 =	vunpack.c.l.s4.s8 v6;
	v7 =	vunpack.c.l.s4.s8 v7;
	s8 =	ssub.s32 $0x2, s7  }
0xb: {  	_ =	strace $0x80000047;
	s10 =	sshll.u32 s7, $0x6;
	s11 =	sshrl.u32 s8, $0x1;
	v0 =	vunpack.c.0.s8.s32 v0;
	v1 =	vunpack.c.0.s8.s32 v1;
	v2 =	vunpack.c.0.s8.s32 v2  }
0xc: {  	[dreg:$0x5] =	wrdreg s29;
	s17 =	sor.u32 s10, s9;
	v3 =	vunpack.c.0.s8.s32 v3;
	v4 =	vunpack.c.0.s8.s32 v4;
	v5 =	vunpack.c.0.s8.s32 v5;
	s18 =	ssub.s32 s8, s11  }
0xd: {  	vm10 =	vmmov $0x7ff;
	s8 =	sadd.s32 s0, s17;
	s31 =	sor.u32 $0x10, s17;
	s9 =	sadd.s32 s4, s17;
	v0 =	vcombine.low v1, v0;
	v1 =	vunpack.c.0.s8.s32 v6  }
0xe: {  	s13 =	sor.u32 $0x20, s17;
	s15 =	sor.u32 $0x30, s17;
	s16 =	sadd.s32 s16, s17;
	v2 =	vcombine.low v3, v2;
	v3 =	vcombine.low v5, v4;
	v4 =	vunpack.c.0.s8.s32 v7  }
0xf: {  	vm11 =	vmmov $0xfff;
	vm12 =	vmmov $0x1fff;
	s10 =	sadd.s32 s0, s31;
	s11 =	sadd.s32 s4, s31;
	s12 =	sadd.s32 s0, s13;
	v5 =	vand.u32 $0xF, v1  }
0x10: {  	s13 =	sadd.s32 s4, s13;
	s14 =	sadd.s32 s0, s15;
	s15 =	sadd.s32 s4, s15;
	v1 =	vand.u32 $0xF, v2;
	v2 =	vand.u32 $0xF, v3;
	v3 =	vcombine.low v5, v4  }
0x11: {  	vm13 =	vmmov $0x3fff;
	vm14 =	vmmov $0x7fff;
	s17 =	smax.u32 s18, $0x1;
	s18 =	simm.s32 $0x2;
	s0 =	simm.s32 $0x0;
	v0 =	vand.u32 $0xF, v0  }
.LBB2_1:
0x12: {  	[tilespmem:s2], [sflag:$0x2] =	stream.linear.gather [hbm4b:s8+s2], $0x80, $0x38;
	[tilespmem:$0x8A10] =	vst v63  }
0x13: {  	_ =	swait.ge [sflag:s18], $0x80  }
0x14: {  	[sflag:s18] =	ssyncset.done $0x0  }
0x15: {  	[sflag:s18] =	ssyncadd.s32 $0xFFFFFF80  }
0x16: {  	[tilespmem:s19], [sflag:$0x2] =	stream.linear.gather [hbm4b:s9+s2], $0x80, $0x38;
	[tilespmem:$0x8A10] =	vst v63  }
0x17: {  	_ =	swait.ge [sflag:s18], $0x80  }
0x18: {  	[sflag:s18] =	ssyncset.done $0x0  }
0x19: {  	[sflag:s18] =	ssyncadd.s32 $0xFFFFFF80  }
0x1a: {  	[tilespmem:s20], [sflag:$0x2] =	stream.linear.gather [hbm4b:s10+s2], $0x80, $0x38;
	[tilespmem:$0x8A10] =	vst v63  }
0x1b: {  	_ =	swait.ge [sflag:s18], $0x80  }
0x1c: {  	[sflag:s18] =	ssyncset.done $0x0  }
0x1d: {  	[sflag:s18] =	ssyncadd.s32 $0xFFFFFF80  }
0x1e: {  	[tilespmem:s21], [sflag:$0x2] =	stream.linear.gather [hbm4b:s11+s2], $0x80, $0x38;
	[tilespmem:$0x8A10] =	vst v63  }
0x1f: {  	_ =	swait.ge [sflag:s18], $0x80  }
0x20: {  	[sflag:s18] =	ssyncset.done $0x0  }
0x21: {  	[sflag:s18] =	ssyncadd.s32 $0xFFFFFF80  }
0x22: {  	[tilespmem:s22], [sflag:$0x2] =	stream.linear.gather [hbm4b:s12+s2], $0x80, $0x38;
	[tilespmem:$0x8A10] =	vst v63  }
0x23: {  	_ =	swait.ge [sflag:s18], $0x80  }
0x24: {  	[sflag:s18] =	ssyncset.done $0x0  }
0x25: {  	[sflag:s18] =	ssyncadd.s32 $0xFFFFFF80  }
0x26: {  	[tilespmem:s23], [sflag:$0x2] =	stream.linear.gather [hbm4b:s13+s2], $0x80, $0x38;
	[tilespmem:$0x8A10] =	vst v63  }
0x27: {  	_ =	swait.ge [sflag:s18], $0x80  }
0x28: {  	[sflag:s18] =	ssyncset.done $0x0  }
0x29: {  	[sflag:s18] =	ssyncadd.s32 $0xFFFFFF80  }
0x2a: {  	[tilespmem:s24], [sflag:$0x2] =	stream.linear.gather [hbm4b:s14+s2], $0x80, $0x38;
	[tilespmem:$0x8A10] =	vst v63  }
0x2b: {  	_ =	swait.ge [sflag:s18], $0x80  }
0x2c: {  	[sflag:s18] =	ssyncset.done $0x0  }
0x2d: {  	[sflag:s18] =	ssyncadd.s32 $0xFFFFFF80  }
0x2e: {  	[tilespmem:s25], [sflag:$0x2] =	stream.linear.gather [hbm4b:s15+s2], $0x80, $0x38;
	[tilespmem:$0x8A10] =	vst v63  }
0x2f: {  	_ =	swait.ge [sflag:s18], $0x80  }
0x30: {  	[sflag:s18] =	ssyncset.done $0x0  }
0x31: {  	s7 =	simm.s32 $0x8800;
	s4 =	rddreg [dreg:$0x5];
	[sflag:s18] =	ssyncadd.s32 $0xFFFFFF80  }
0x32: {  	[tilespmem:s7], [sflag:$0x2] =	stream.linear.gather [hbm4b:s4+s2], $0x10, $0x38;
	[tilespmem:$0x8A10] =	vst v63  }
0x33: {  	_ =	swait.ge [sflag:s18], $0x10  }
0x34: {  	[sflag:s18] =	ssyncset.done $0x0  }
0x35: {  	s31 =	simm.s32 $0x400;
	[sflag:s18] =	ssyncadd.s32 $0xFFFFFFF0  }
0x36: {  	[tilespmem:s31], [sflag:$0x1] =	stream.indirect.gather [hbm4b:s3+s20], $0x20, s2, s20, $0xb8;
	[tilespmem:$0x8A10] =	vst v63  }
0x37: {  	s7 =	simm.s32 $0x4400  }
0x38: {  	[tilespmem:s7], [sflag:$0x1] =	stream.indirect.gather [hbm4b:s5+s20], $0x20, s19, s20, $0xb8;
	[tilespmem:$0x8A10] =	vst v63  }
0x39: {  	s26 =	simm.s32 $0x8400  }
0x3a: {  	[tilespmem:s26], [sflag:$0x1] =	stream.indirect.gather [hbm4b:s6+s20], $0x1, s2, s20, $0xb8;
	[tilespmem:$0x8A10] =	vst v63  }
0x3b: {  	s31 =	simm.s32 $0x8600  }
0x3c: {  	[tilespmem:s31], [sflag:$0x1] =	stream.indirect.gather [hbm4b:s1+s20], $0x1, s19, s20, $0xb8;
	[tilespmem:$0x8A10] =	vst v63  }
0x3d: {  	s7 =	simm.s32 $0x1400  }
0x3e: {  	[tilespmem:s7], [sflag:$0x1] =	stream.indirect.gather [hbm4b:s3+s20], $0x20, s20, s20, $0xb8;
	[tilespmem:$0x8A10] =	vst v63  }
0x3f: {  	s26 =	simm.s32 $0x5400  }
0x40: {  	[tilespmem:s26], [sflag:$0x1] =	stream.indirect.gather [hbm4b:s5+s20], $0x20, s21, s20, $0xb8;
	[tilespmem:$0x8A10] =	vst v63  }
0x41: {  	s31 =	simm.s32 $0x8480  }
0x42: {  	[tilespmem:s31], [sflag:$0x1] =	stream.indirect.gather [hbm4b:s6+s20], $0x1, s20, s20, $0xb8;
	[tilespmem:$0x8A10] =	vst v63  }
0x43: {  	s7 =	simm.s32 $0x8680  }
0x44: {  	[tilespmem:s7], [sflag:$0x1] =	stream.indirect.gather [hbm4b:s1+s20], $0x1, s21, s20, $0xb8;
	[tilespmem:$0x8A10] =	vst v63  }
0x45: {  	s26 =	simm.s32 $0x2400  }
0x46: {  	[tilespmem:s26], [sflag:$0x1] =	stream.indirect.gather [hbm4b:s3+s20], $0x20, s22, s20, $0xb8;
	[tilespmem:$0x8A10] =	vst v63  }
0x47: {  	s31 =	simm.s32 $0x6400  }
0x48: {  	[tilespmem:s31], [sflag:$0x1] =	stream.indirect.gather [hbm4b:s5+s20], $0x20, s23, s20, $0xb8;
	[tilespmem:$0x8A10] =	vst v63  }
0x49: {  	s7 =	simm.s32 $0x8500  }
0x4a: {  	[tilespmem:s7], [sflag:$0x1] =	stream.indirect.gather [hbm4b:s6+s20], $0x1, s22, s20, $0xb8;
	[tilespmem:$0x8A10] =	vst v63  }
0x4b: {  	s26 =	simm.s32 $0x8700  }
0x4c: {  	[tilespmem:s26], [sflag:$0x1] =	stream.indirect.gather [hbm4b:s1+s20], $0x1, s23, s20, $0xb8;
	[tilespmem:$0x8A10] =	vst v63  }
0x4d: {  	s31 =	simm.s32 $0x3400  }
0x4e: {  	[tilespmem:s31], [sflag:$0x1] =	stream.indirect.gather [hbm4b:s3+s20], $0x20, s24, s20, $0xb8;
	[tilespmem:$0x8A10] =	vst v63  }
0x4f: {  	s7 =	simm.s32 $0x7400  }
0x50: {  	[tilespmem:s7], [sflag:$0x1] =	stream.indirect.gather [hbm4b:s5+s20], $0x20, s25, s20, $0xb8;
	[tilespmem:$0x8A10] =	vst v63  }
0x51: {  	s26 =	simm.s32 $0x8580  }
0x52: {  	[tilespmem:s26], [sflag:$0x1] =	stream.indirect.gather [hbm4b:s6+s20], $0x1, s24, s20, $0xb8;
	[tilespmem:$0x8A10] =	vst v63  }
0x53: {  	s31 =	simm.s32 $0x8780  }
0x54: {  	[tilespmem:s31], [sflag:$0x1] =	stream.indirect.gather [hbm4b:s1+s20], $0x1, s25, s20, $0xb8;
	[tilespmem:$0x8A10] =	vst v63  }
0x55: {  	_ =	swait.ge [sflag:s30], $0x1000  }
0x56: {  	[sflag:s30] =	ssyncset.done $0x0  }
0x57: {  	[sflag:s30] =	ssyncadd.s32 $0xFFFFF000  }
0x58: {  	_ =	swait.ge [sflag:s30], $0x1000  }
0x59: {  	[sflag:s30] =	ssyncset.done $0x0  }
0x5a: {  	[sflag:s30] =	ssyncadd.s32 $0xFFFFF000  }
0x5b: {  	_ =	swait.ge [sflag:s30], $0x80  }
0x5c: {  	[sflag:s30] =	ssyncset.done $0x0  }
0x5d: {  	[sflag:s30] =	ssyncadd.s32 $0xFFFFFF80  }
0x5e: {  	_ =	swait.ge [sflag:s30], $0x80  }
0x5f: {  	[sflag:s30] =	ssyncset.done $0x0  }
0x60: {  	[sflag:s30] =	ssyncadd.s32 $0xFFFFFF80  }
0x61: {  	_ =	swait.ge [sflag:s30], $0x1000  }
0x62: {  	[sflag:s30] =	ssyncset.done $0x0  }
0x63: {  	[sflag:s30] =	ssyncadd.s32 $0xFFFFF000  }
0x64: {  	_ =	swait.ge [sflag:s30], $0x1000  }
0x65: {  	[sflag:s30] =	ssyncset.done $0x0  }
0x66: {  	[sflag:s30] =	ssyncadd.s32 $0xFFFFF000  }
0x67: {  	_ =	swait.ge [sflag:s30], $0x80  }
0x68: {  	[sflag:s30] =	ssyncset.done $0x0  }
0x69: {  	[sflag:s30] =	ssyncadd.s32 $0xFFFFFF80  }
0x6a: {  	_ =	swait.ge [sflag:s30], $0x80  }
0x6b: {  	[sflag:s30] =	ssyncset.done $0x0  }
0x6c: {  	[sflag:s30] =	ssyncadd.s32 $0xFFFFFF80  }
0x6d: {  	_ =	swait.ge [sflag:s30], $0x1000  }
0x6e: {  	[sflag:s30] =	ssyncset.done $0x0  }
0x6f: {  	[sflag:s30] =	ssyncadd.s32 $0xFFFFF000  }
0x70: {  	_ =	swait.ge [sflag:s30], $0x1000  }
0x71: {  	[sflag:s30] =	ssyncset.done $0x0  }
0x72: {  	[sflag:s30] =	ssyncadd.s32 $0xFFFFF000  }
0x73: {  	_ =	swait.ge [sflag:s30], $0x80  }
0x74: {  	[sflag:s30] =	ssyncset.done $0x0  }
0x75: {  	[sflag:s30] =	ssyncadd.s32 $0xFFFFFF80  }
0x76: {  	_ =	swait.ge [sflag:s30], $0x80  }
0x77: {  	[sflag:s30] =	ssyncset.done $0x0  }
0x78: {  	[sflag:s30] =	ssyncadd.s32 $0xFFFFFF80  }
0x79: {  	_ =	swait.ge [sflag:s30], $0x1000  }
0x7a: {  	[sflag:s30] =	ssyncset.done $0x0  }
0x7b: {  	[sflag:s30] =	ssyncadd.s32 $0xFFFFF000  }
0x7c: {  	_ =	swait.ge [sflag:s30], $0x1000  }
0x7d: {  	[sflag:s30] =	ssyncset.done $0x0  }
0x7e: {  	[sflag:s30] =	ssyncadd.s32 $0xFFFFF000  }
0x7f: {  	_ =	swait.ge [sflag:s30], $0x80  }
0x80: {  	[sflag:s30] =	ssyncset.done $0x0  }
0x81: {  	[sflag:s30] =	ssyncadd.s32 $0xFFFFFF80  }
0x82: {  	_ =	swait.ge [sflag:s30], $0x80  }
0x83: {  	[sflag:s30] =	ssyncset.done $0x0  }
0x84: {  	s4 =	simm.s32 $0x4500;
	[sflag:s30] =	ssyncadd.s32 $0xFFFFFF80  }
0x85: {  	s26 =	simm.s32 $0x500;
	v5 =	vld [tilespmem:s4+$0xFFFFFFB0]  }
0x86: {  	v6 =	vld [tilespmem:s26+$0xFFFFFFD0]  }
0x87: {  	v8 =	vld [tilespmem:s4+$0xFFFFFFD0]  }
0x88: {  	v9 =	vld [tilespmem:s26+$0xFFFFFFF0]  }
0x89: {  	v10 =	vld [tilespmem:s26+$0xFFFFFF20]  }
0x8a: {  	v11 =	vld [tilespmem:s26+$0xFFFFFF30]  }
0x8b: {  	v12 =	vld [tilespmem:s4+$0xFFFFFF20]  }
0x8c: {  	v13 =	vld [tilespmem:s4+$0xFFFFFF30]  }
0x8d: {  	v14 =	vld [tilespmem:s4+$0xFFFFFFF0]  }
0x8e: {  	v15 =	vld [tilespmem:s26+$0xFFFFFFB0]  }
0x8f: {  	v16 =	vld [tilespmem:s4+$0xFFFFFF90]  }
0x90: {  	v17 =	vld [tilespmem:s4+$0xFFFFFF80]  }
0x91: {  	v18 =	vld [tilespmem:s26+$0xFFFFFF90]  }
0x92: {  	v19 =	vld [tilespmem:s4+$0xFFFFFF50]  }
0x93: {  	v21 =	vld [tilespmem:s4+$0xFFFFFF40]  }
0x94: {  	v22 =	vld [tilespmem:s26+$0xFFFFFF50]  }
0x95: {  	v23 =	vld [tilespmem:s4+$0xFFFFFF00]  }
0x96: {  	v25 =	vld [tilespmem:s4+$0xFFFFFF10]  }
0x97: {  	v26 =	vld [tilespmem:s26+$0xFFFFFF10];
	v10 =	vmul.f32 v12, v10;
	v11 =	vmul.f32 v13, v11  }
0x98: {  	v54 =	vld [tilespmem:s26+$0xFFFFFF40]  }
0x99: {  	v27 =	vld [tilespmem:s26+$0xFFFFFF80];
	v10 =	vadd.f32 v11, v10  }
0x9a: {  	v12 =	vld [tilespmem:s4+$0xFFFFFF70]  }
0x9b: {  	v13 =	vld [tilespmem:s4+$0xFFFFFF60];
	v20 =	vperm.xlane v10, v0  }
0x9c: {  	v6 =	vmul.f32 v8, v6;
	v8 =	vld [tilespmem:s26+$0xFFFFFF60]  }
0x9d: {  	v11 =	vld [tilespmem:s26+$0xFFFFFF70];
	v10 =	vadd.f32 v10, v20  }
0x9e: {  	v5 =	vmul.f32 v5, v15;
	v9 =	vmul.f32 v14, v9;
	v20 =	vld [tilespmem:s26+$0xFFFFFF00]  }
0x9f: {  	v14 =	vmul.f32 v25, v26;
	v24 =	vperm.xlane v10, v1  }
0xa0: {  	v4 =	vld [tilespmem:s4+$0xFFFFFFA0];
	v21 =	vmul.f32 v21, v54;
	v19 =	vmul.f32 v19, v22  }
0xa1: {  	v17 =	vmul.f32 v17, v27;
	v16 =	vmul.f32 v16, v18;
	v18 =	vld [tilespmem:s4+$0x0];
	v10 =	vadd.f32 v10, v24  }
0xa2: {  	v8 =	vmul.f32 v13, v8;
	v13 =	vld [tilespmem:s26+$0x0];
	v11 =	vmul.f32 v12, v11  }
0xa3: {  	v19 =	vadd.f32 v19, v21;
	v12 =	vmul.f32 v23, v20;
	v20 =	vld [tilespmem:s26+$0xFFFFFFA0];
	v15 =	vperm.xlane v10, v2  }
0xa4: {  	v7 =	vld [tilespmem:s4+$0xFFFFFFC0];
	v16 =	vadd.f32 v16, v17;
	v8 =	vadd.f32 v11, v8  }
0xa5: {  	v11 =	vperm.xlane v19, v0;
	v12 =	vadd.f32 v14, v12;
	v10 =	vadd.f32 v10, v15;
	v15 =	vld [tilespmem:s26+$0xFFFFFFC0]  }
0xa6: {  	v17 =	vperm.xlane v16, v0  }
0xa7: {  	v11 =	vadd.f32 v19, v11;
	v21 =	vperm.xlane v12, v0;
	v14 =	vperm.xlane v10, v3  }
0xa8: {  	v16 =	vadd.f32 v16, v17;
	v13 =	vmul.f32 v18, v13;
	v4 =	vmul.f32 v4, v20  }
0xa9: {  	v18 =	vperm.xlane v11, v1;
	v12 =	vadd.f32 v12, v21;
	v10 =	vadd.f32 v10, v14  }
0xaa: {  	v14 =	vperm.xlane v8, v0;
	v4 =	vadd.f32 v5, v4;
	v5 =	vld [tilespmem:s4+$0xFFFFFFE0];
	v7 =	vmul.f32 v7, v15  }
0xab: {  	v11 =	vadd.f32 v11, v18;
	v15 =	vld [tilespmem:s26+$0xFFFFFFE0];
	v19 =	vperm.xlane v12, v1  }
0xac: {  	v55 =	vld [tilespmem:s4+$0x30];
	v18 =	vperm.xlane v16, v1;
	v8 =	vadd.f32 v8, v14;
	v6 =	vadd.f32 v6, v7  }
0xad: {  	v57 =	vld [tilespmem:s4+$0x10];
	v12 =	vadd.f32 v12, v19;
	v19 =	vperm.xlane v4, v0  }
0xae: {  	v60 =	vld [tilespmem:s26+$0x20];
	v16 =	vadd.f32 v16, v18;
	v17 =	vperm.xlane v8, v1;
	v21 =	vperm.xlane v6, v0  }
0xaf: {  	v14 =	vld [tilespmem:s4+$0x90];
	v23 =	vperm.xlane v12, v2;
	v4 =	vadd.f32 v4, v19;
	v19 =	vperm.xlane v11, v2  }
0xb0: {  	v7 =	vld [tilespmem:s26+$0x90];
	v8 =	vadd.f32 v8, v17;
	v5 =	vmul.f32 v5, v15;
	v6 =	vadd.f32 v6, v21  }
0xb1: {  	v61 =	vld [tilespmem:s26+$0x40];
	v12 =	vadd.f32 v12, v23;
	v23 =	vperm.xlane v4, v1;
	v11 =	vadd.f32 v11, v19  }
0xb2: {  	v22 =	vld [tilespmem:s4+$0x50];
	v19 =	vperm.xlane v16, v2;
	v21 =	vperm.xlane v8, v2;
	v5 =	vadd.f32 v9, v5  }
0xb3: {  	v18 =	vld [tilespmem:s26+$0x50];
	v56 =	vperm.xlane v6, v1;
	v58 =	vperm.xlane v12, v3;
	v4 =	vadd.f32 v4, v23  }
0xb4: {  	v23 =	vperm.xlane v11, v3;
	v16 =	vadd.f32 v16, v19;
	v19 =	vld [tilespmem:s4+$0x20];
	v8 =	vadd.f32 v8, v21  }
0xb5: {  	v7 =	vmul.f32 v14, v7;
	v21 =	vld [tilespmem:s26+$0x10];
	v6 =	vadd.f32 v6, v56;
	v12 =	vadd.f32 v12, v58  }
0xb6: {  	v28 =	vld [tilespmem:s26+$0x30];
	v11 =	vadd.f32 v11, v23;
	v23 =	vperm.xlane v4, v2;
	v59 =	vperm.xlane v8, v3  }
0xb7: {  	v17 =	vld [tilespmem:s4+$0x40];
	v14 =	vperm.xlane v16, v3;
	v10 =	vsel vm0, v12, v10;
	v12 =	vperm.xlane v6, v2  }
0xb8: {  	v20 =	vld [tilespmem:s4+$0x70];
	v4 =	vadd.f32 v4, v23;
	v8 =	vadd.f32 v8, v59;
	v10 =	vsel vm1, v10, v11  }
0xb9: {  	v11 =	vadd.f32 v16, v14;
	v14 =	vmul.f32 v22, v18;
	v16 =	vld [tilespmem:s4+$0x60];
	v9 =	vmul.f32 v19, v60  }
0xba: {  	v6 =	vadd.f32 v6, v12;
	v12 =	vld [tilespmem:s26+$0x70];
	v8 =	vsel vm2, v10, v8;
	v10 =	vmul.f32 v57, v21  }
0xbb: {  	v15 =	vperm.xlane v4, v3;
	v21 =	vmul.f32 v55, v28;
	v8 =	vsel vm3, v8, v11;
	v11 =	vld [tilespmem:s26+$0x60]  }
0xbc: {  	v18 =	vld [tilespmem:s4+$0x80];
	v19 =	vperm.xlane v6, v3;
	v10 =	vadd.f32 v10, v13;
	v13 =	vmul.f32 v17, v61  }
0xbd: {  	v4 =	vadd.f32 v4, v15;
	v15 =	vperm.xlane v5, v0;
	v17 =	vld [tilespmem:s4+$0xB0];
	v9 =	vadd.f32 v21, v9  }
0xbe: {  	v6 =	vadd.f32 v6, v19;
	v19 =	vperm.xlane v10, v0;
	v13 =	vadd.f32 v14, v13;
	v14 =	vld [tilespmem:s26+$0xB0]  }
0xbf: {  	v22 =	vld [tilespmem:s26+$0x80];
	v5 =	vadd.f32 v5, v15;
	v8 =	vsel vm4, v8, v4;
	v12 =	vmul.f32 v20, v12  }
0xc0: {  	v21 =	vld [tilespmem:s26+$0xA0];
	v11 =	vmul.f32 v16, v11;
	v10 =	vadd.f32 v10, v19;
	v15 =	vperm.xlane v13, v0  }
0xc1: {  	v20 =	vperm.xlane v9, v0;
	v6 =	vsel vm5, v8, v6;
	v16 =	vld [tilespmem:s4+$0xA0];
	v19 =	vperm.xlane v5, v1  }
0xc2: {  	v23 =	vperm.xlane v10, v1;
	v13 =	vadd.f32 v13, v15;
	v11 =	vadd.f32 v12, v11  }
0xc3: {  	v8 =	vld [tilespmem:s26+$0xD0];
	v12 =	vadd.f32 v5, v19;
	v19 =	vadd.f32 v9, v20;
	v14 =	vmul.f32 v17, v14  }
0xc4: {  	v5 =	vld [tilespmem:s4+$0xD0];
	v15 =	vadd.f32 v10, v23;
	v9 =	vperm.xlane v13, v1;
	v10 =	vmul.f32 v18, v22  }
0xc5: {  	v18 =	vld [tilespmem:s26+$0xC0];
	v17 =	vperm.xlane v12, v2;
	v20 =	vperm.xlane v11, v0  }
0xc6: {  	v23 =	vld [tilespmem:s4+$0xC0];
	v16 =	vmul.f32 v16, v21;
	v22 =	vperm.xlane v15, v2;
	v62 =	vadd.f32 v13, v9  }
0xc7: {  	v9 =	vadd.f32 v7, v10;
	v63 =	vadd.f32 v12, v17;
	v7 =	vperm.xlane v19, v1;
	v10 =	vld [tilespmem:s4+$0xF0]  }
0xc8: {  	v13 =	vadd.f32 v11, v20;
	v12 =	vld [tilespmem:s4+$0xE0];
	v15 =	vadd.f32 v15, v22;
	v17 =	vperm.xlane v62, v2  }
0xc9: {  	v11 =	vadd.f32 v14, v16;
	v16 =	vld [tilespmem:s26+$0xF0];
	v20 =	vperm.xlane v63, v3;
	v7 =	vadd.f32 v19, v7  }
0xca: {  	v21 =	vperm.xlane v9, v0;
	v22 =	vperm.xlane v15, v3;
	v14 =	vadd.f32 v62, v17;
	v17 =	vld [tilespmem:s26+$0xE0]  }
0xcb: {  	s29 =	simm.s32 $0x40;
	s28 =	simm.s32 $0x0;
	v4 =	vld [tilespmem:$0x8800];
	v18 =	vmul.f32 v23, v18;
	v19 =	vadd.f32 v63, v20;
	v20 =	vperm.xlane v13, v1  }
.LBB2_2:
0xcc: {  	p0 =	sne.s32 s29, $0x7C0;
	v15 =	vadd.f32 v15, v22;
	v22 =	vperm.xlane v14, v3;
	v9 =	vadd.f32 v9, v21;
	s26 =	sadd.s32 $0x200, s26;
	s4 =	sadd.s32 $0x200, s4  }
0xcd: {  	s31 =	smov.u32 s29;
	s29 =	sadd.s32 $0x40, s29;
	v6 =	vsel vm6, v6, v19;
	v13 =	vadd.f32 v13, v20;
	v19 =	vperm.xlane v11, v0  }
0xce: {  	v5 =	vmul.f32 v5, v8;
	v14 =	vadd.f32 v14, v22;
	v8 =	vmul.f32 v10, v16  }
0xcf: {  	v10 =	vperm.xlane v13, v2;
	v11 =	vadd.f32 v11, v19;
	v12 =	vmul.f32 v12, v17  }
0xd0: {  	v16 =	vperm.xlane v7, v2;
	v5 =	vadd.f32 v5, v18;
	v17 =	vperm.xlane v9, v1  }
0xd1: {  	v10 =	vadd.f32 v13, v10;
	v13 =	vperm.xlane v11, v1;
	v8 =	vadd.f32 v8, v12  }
0xd2: {  	v7 =	vadd.f32 v7, v16;
	v9 =	vadd.f32 v9, v17;
	v12 =	vperm.xlane v5, v0  }
0xd3: {  	v16 =	vperm.xlane v10, v3;
	v11 =	vadd.f32 v11, v13;
	v13 =	vperm.xlane v8, v0  }
0xd4: {  	v17 =	vperm.xlane v7, v3;
	v18 =	vperm.xlane v9, v2;
	v5 =	vadd.f32 v5, v12  }
0xd5: {  	v10 =	vadd.f32 v10, v16;
	v12 =	vperm.xlane v11, v2;
	v8 =	vadd.f32 v8, v13  }
0xd6: {  	v7 =	vadd.f32 v7, v17;
	v9 =	vadd.f32 v9, v18;
	v13 =	vperm.xlane v5, v1  }
0xd7: {  	v6 =	vsel vm7, v6, v15;
	v11 =	vadd.f32 v11, v12;
	v12 =	vperm.xlane v8, v1  }
0xd8: {  	v6 =	vsel vm8, v6, v7;
	v7 =	vperm.xlane v9, v3;
	v5 =	vadd.f32 v5, v13  }
0xd9: {  	v6 =	vsel vm9, v6, v14;
	v13 =	vperm.xlane v11, v3;
	v8 =	vadd.f32 v8, v12  }
0xda: {  	v6 =	vsel vm10, v6, v10;
	v7 =	vadd.f32 v9, v7;
	v9 =	vperm.xlane v5, v2  }
0xdb: {  	v10 =	vadd.f32 v11, v13;
	v11 =	vperm.xlane v8, v2  }
0xdc: {  	v6 =	vsel vm11, v6, v7;
	v5 =	vadd.f32 v5, v9  }
0xdd: {  	v6 =	vsel vm12, v6, v10;
	v7 =	vadd.f32 v8, v11  }
0xde: {  	s7 =	sshra.s32 s28, $0x2;
	s28 =	smov.u32 s31;
	v8 =	vperm.xlane v5, v3  }
0xdf: {  	v9 =	vperm.xlane v7, v3;
	v10 =	vld [tilespmem:s7+$0x8400]  }
0xe0: {  	v5 =	vadd.f32 v5, v8  }
0xe1: {  	v7 =	vadd.f32 v7, v9;
	v8 =	vld [tilespmem:s7+$0x8600]  }
0xe2: {  	v5 =	vsel vm13, v6, v5  }
0xe3: {  	v5 =	vsel vm14, v5, v7  }
0xe4: {  	v5 =	vadd.f32 v5, v10;
	_ =	sdelay $0x1  }
0xe5: {  	v5 =	vadd.f32 v5, v8;
	_ =	sdelay $0x1  }
0xe6: {  	v5 =	vadd.f32 v5, v4;
	_ =	sdelay $0x1  }
0xe7: {  	[tilespmem:s7+$0x8810] =	vst v5  }
0xe8: {  	v5 =	vld [tilespmem:s4+$0xFFFFFFA0]  }
0xe9: {  	v6 =	vld [tilespmem:s4+$0xFFFFFFB0]  }
0xea: {  	v7 =	vld [tilespmem:s26+$0xFFFFFFD0]  }
0xeb: {  	v8 =	vld [tilespmem:s4+$0xFFFFFFC0]  }
0xec: {  	v9 =	vld [tilespmem:s4+$0xFFFFFFD0]  }
0xed: {  	v10 =	vld [tilespmem:s26+$0xFFFFFFF0]  }
0xee: {  	v11 =	vld [tilespmem:s26+$0xFFFFFF20]  }
0xef: {  	v12 =	vld [tilespmem:s26+$0xFFFFFF30]  }
0xf0: {  	v13 =	vld [tilespmem:s4+$0xFFFFFF20]  }
0xf1: {  	v14 =	vld [tilespmem:s4+$0xFFFFFF30]  }
0xf2: {  	v15 =	vld [tilespmem:s4+$0xFFFFFFF0]  }
0xf3: {  	v16 =	vld [tilespmem:s26+$0xFFFFFFB0]  }
0xf4: {  	v17 =	vld [tilespmem:s4+$0xFFFFFF90]  }
0xf5: {  	v7 =	vmul.f32 v9, v7;
	v11 =	vmul.f32 v13, v11;
	v13 =	vld [tilespmem:s4+$0xFFFFFF80]  }
0xf6: {  	v9 =	vmul.f32 v14, v12;
	v12 =	vld [tilespmem:s26+$0xFFFFFF90]  }
0xf7: {  	v14 =	vld [tilespmem:s4+$0xFFFFFF70]  }
0xf8: {  	v9 =	vadd.f32 v9, v11;
	v11 =	vld [tilespmem:s4+$0xFFFFFF60];
	v6 =	vmul.f32 v6, v16  }
0xf9: {  	v16 =	vld [tilespmem:s26+$0xFFFFFF70]  }
0xfa: {  	v18 =	vperm.xlane v9, v0;
	v19 =	vld [tilespmem:s4+$0xFFFFFF50]  }
0xfb: {  	v20 =	vld [tilespmem:s4+$0xFFFFFF40]  }
0xfc: {  	v9 =	vadd.f32 v9, v18;
	v18 =	vld [tilespmem:s26+$0xFFFFFF50]  }
0xfd: {  	v21 =	vld [tilespmem:s26+$0xFFFFFF00]  }
0xfe: {  	v22 =	vld [tilespmem:s4+$0xFFFFFF00];
	v23 =	vperm.xlane v9, v1;
	v14 =	vmul.f32 v14, v16  }
0xff: {  	v16 =	vld [tilespmem:s4+$0xFFFFFF10]  }
0x100: {  	v24 =	vld [tilespmem:s26+$0xFFFFFF10];
	v9 =	vadd.f32 v9, v23  }
0x101: {  	v23 =	vld [tilespmem:s26+$0xFFFFFF40]  }
0x102: {  	v25 =	vperm.xlane v9, v2;
	v26 =	vld [tilespmem:s26+$0xFFFFFF60]  }
0x103: {  	v21 =	vmul.f32 v22, v21;
	v22 =	vld [tilespmem:s26+$0xFFFFFF80]  }
0x104: {  	v10 =	vmul.f32 v15, v10;
	v9 =	vadd.f32 v9, v25;
	v25 =	vld [tilespmem:s26+$0xFFFFFFA0]  }
0x105: {  	v15 =	vmul.f32 v16, v24;
	v16 =	vld [tilespmem:s26+$0xFFFFFFC0]  }
0x106: {  	v18 =	vmul.f32 v19, v18;
	v20 =	vmul.f32 v20, v23;
	v19 =	vld [tilespmem:s26+$0xFFFFFFE0]  }
0x107: {  	v15 =	vadd.f32 v15, v21;
	v21 =	vperm.xlane v9, v3;
	v11 =	vmul.f32 v11, v26;
	v23 =	vld [tilespmem:s26+$0x0]  }
0x108: {  	v12 =	vmul.f32 v17, v12;
	v18 =	vadd.f32 v18, v20;
	v13 =	vmul.f32 v13, v22;
	v17 =	vld [tilespmem:s4+$0x0]  }
0x109: {  	v20 =	vperm.xlane v15, v0;
	v11 =	vadd.f32 v14, v11;
	v5 =	vmul.f32 v5, v25  }
0x10a: {  	v14 =	vperm.xlane v18, v0;
	v12 =	vadd.f32 v12, v13;
	v8 =	vmul.f32 v8, v16  }
0x10b: {  	v9 =	vadd.f32 v9, v21;
	v13 =	vadd.f32 v15, v20;
	v15 =	vperm.xlane v11, v0;
	v16 =	vld [tilespmem:s4+$0xFFFFFFE0]  }
0x10c: {  	v5 =	vadd.f32 v6, v5;
	v14 =	vadd.f32 v18, v14;
	v18 =	vperm.xlane v12, v0;
	v6 =	vld [tilespmem:s4+$0x90]  }
0x10d: {  	v20 =	vperm.xlane v13, v1;
	v11 =	vadd.f32 v11, v15;
	v15 =	vmul.f32 v17, v23;
	v17 =	vld [tilespmem:s4+$0x80]  }
0x10e: {  	v7 =	vadd.f32 v7, v8;
	v21 =	vperm.xlane v14, v1;
	v12 =	vadd.f32 v12, v18;
	v8 =	vld [tilespmem:s26+$0x90]  }
0x10f: {  	v13 =	vadd.f32 v13, v20;
	v18 =	vperm.xlane v11, v1;
	v20 =	vperm.xlane v5, v0;
	v22 =	vld [tilespmem:s4+$0x70]  }
0x110: {  	v23 =	vperm.xlane v7, v0;
	v14 =	vadd.f32 v14, v21;
	v21 =	vperm.xlane v12, v1;
	v24 =	vld [tilespmem:s4+$0x50]  }
0x111: {  	v25 =	vperm.xlane v13, v2;
	v11 =	vadd.f32 v11, v18;
	v5 =	vadd.f32 v5, v20;
	v18 =	vld [tilespmem:s4+$0x40]  }
0x112: {  	v7 =	vadd.f32 v7, v23;
	v20 =	vperm.xlane v14, v2;
	v12 =	vadd.f32 v12, v21;
	v21 =	vld [tilespmem:s26+$0x50]  }
0x113: {  	v13 =	vadd.f32 v13, v25;
	v23 =	vperm.xlane v11, v2;
	v25 =	vperm.xlane v5, v1;
	v26 =	vld [tilespmem:s4+$0x30]  }
0x114: {  	v27 =	vperm.xlane v7, v1;
	v14 =	vadd.f32 v14, v20;
	v20 =	vperm.xlane v12, v2;
	v28 =	vld [tilespmem:s4+$0x10]  }
0x115: {  	v29 =	vperm.xlane v13, v3;
	v11 =	vadd.f32 v11, v23;
	v5 =	vadd.f32 v5, v25;
	v23 =	vld [tilespmem:s26+$0x10]  }
0x116: {  	v7 =	vadd.f32 v7, v27;
	v25 =	vperm.xlane v14, v3;
	v12 =	vadd.f32 v12, v20;
	v20 =	vld [tilespmem:s4+$0x20]  }
0x117: {  	v8 =	vmul.f32 v6, v8;
	v13 =	vadd.f32 v13, v29;
	v27 =	vperm.xlane v11, v3;
	v29 =	vld [tilespmem:s26+$0x30]  }
0x118: {  	v6 =	vadd.f32 v14, v25;
	v14 =	vperm.xlane v12, v3;
	v25 =	vperm.xlane v5, v2;
	v30 =	vld [tilespmem:s26+$0x20]  }
0x119: {  	v9 =	vsel vm0, v13, v9;
	v11 =	vadd.f32 v11, v27;
	v13 =	vperm.xlane v7, v2;
	v27 =	vld [tilespmem:s26+$0x40]  }
0x11a: {  	v6 =	vsel vm1, v9, v6;
	v9 =	vadd.f32 v12, v14;
	v12 =	vmul.f32 v24, v21;
	v14 =	vld [tilespmem:s4+$0x60]  }
0x11b: {  	v5 =	vadd.f32 v5, v25;
	v6 =	vsel vm2, v6, v11;
	v11 =	vmul.f32 v16, v19;
	v16 =	vld [tilespmem:s26+$0x70]  }
0x11c: {  	v7 =	vadd.f32 v7, v13;
	v6 =	vsel vm3, v6, v9;
	v9 =	vmul.f32 v28, v23;
	v13 =	vld [tilespmem:s26+$0x60]  }
0x11d: {  	v19 =	vperm.xlane v5, v3;
	v10 =	vadd.f32 v10, v11;
	v11 =	vmul.f32 v20, v30;
	v20 =	vld [tilespmem:s26+$0x80]  }
0x11e: {  	v21 =	vperm.xlane v7, v3;
	v9 =	vadd.f32 v9, v15;
	v15 =	vmul.f32 v18, v27;
	v18 =	vld [tilespmem:s4+$0xB0]  }
0x11f: {  	v23 =	vmul.f32 v26, v29;
	v5 =	vadd.f32 v5, v19;
	v19 =	vperm.xlane v10, v0;
	v24 =	vld [tilespmem:s4+$0xA0]  }
0x120: {  	v7 =	vadd.f32 v7, v21;
	v21 =	vperm.xlane v9, v0;
	v12 =	vadd.f32 v12, v15;
	v15 =	vld [tilespmem:s26+$0xB0]  }
0x121: {  	v11 =	vadd.f32 v23, v11;
	v10 =	vadd.f32 v10, v19;
	v13 =	vmul.f32 v14, v13;
	v14 =	vld [tilespmem:s26+$0xA0]  }
0x122: {  	v16 =	vmul.f32 v22, v16;
	v9 =	vadd.f32 v9, v21;
	v19 =	vperm.xlane v12, v0  }
0x123: {  	v6 =	vsel vm4, v6, v5;
	v21 =	vperm.xlane v11, v0;
	v5 =	vperm.xlane v10, v1  }
0x124: {  	v13 =	vadd.f32 v16, v13;
	v22 =	vperm.xlane v9, v1;
	v12 =	vadd.f32 v12, v19  }
0x125: {  	v11 =	vadd.f32 v11, v21;
	v10 =	vadd.f32 v10, v5;
	v16 =	vmul.f32 v18, v15;
	v5 =	vld [tilespmem:s4+$0xD0]  }
0x126: {  	v17 =	vmul.f32 v17, v20;
	v15 =	vadd.f32 v9, v22;
	v9 =	vperm.xlane v12, v1;
	v18 =	vld [tilespmem:s26+$0xC0]  }
0x127: {  	v6 =	vsel vm5, v6, v7;
	v19 =	vperm.xlane v13, v0;
	v7 =	vperm.xlane v10, v2;
	v23 =	vld [tilespmem:s4+$0xC0]  }
0x128: {  	v20 =	vperm.xlane v15, v2;
	v21 =	vadd.f32 v12, v9;
	v9 =	vadd.f32 v8, v17;
	v8 =	vld [tilespmem:s26+$0xD0]  }
.Ltmp0:
0x129: {  	v14 =	vmul.f32 v24, v14;
	v25 =	vadd.f32 v10, v7;
	v7 =	vperm.xlane v11, v1;
	v10 =	vld [tilespmem:s4+$0xF0];
	(pc) =	sbr.rel @p0 .LBB2_2-.Ltmp0, $4  }
0x12a: {  	v13 =	vadd.f32 v13, v19;
	v15 =	vadd.f32 v15, v20;
	v17 =	vperm.xlane v21, v2;
	v12 =	vld [tilespmem:s4+$0xE0]  }
0x12b: {  	v19 =	vperm.xlane v25, v3;
	v7 =	vadd.f32 v11, v7;
	v11 =	vadd.f32 v16, v14;
	v16 =	vld [tilespmem:s26+$0xF0]  }
0x12c: {  	v22 =	vperm.xlane v15, v3;
	v14 =	vadd.f32 v21, v17;
	v21 =	vperm.xlane v9, v0;
	v17 =	vld [tilespmem:s26+$0xE0]  }
0x12d: {  	v20 =	vperm.xlane v13, v1;
	v18 =	vmul.f32 v23, v18;
	v19 =	vadd.f32 v25, v19  }
0x12e: {  	_ =	sdelay $0x1  }
0x12f: {  	v5 =	vmul.f32 v5, v8  }
0x130: {  	v40 =	vmul.f32 v10, v16;
	v41 =	vmul.f32 v12, v17  }
0x131: {  	v42 =	vadd.f32 v15, v22;
	v43 =	vperm.xlane v14, v3;
	v5 =	vadd.f32 v5, v18  }
0x132: {  	v9 =	vadd.f32 v9, v21;
	v44 =	vperm.xlane v11, v0;
	v8 =	vadd.f32 v40, v41  }
0x133: {  	v50 =	vperm.xlane v7, v2;
	v6 =	vsel vm6, v6, v19;
	v46 =	vperm.xlane v5, v0  }
0x134: {  	v45 =	vadd.f32 v13, v20;
	v11 =	vadd.f32 v11, v44;
	v47 =	vperm.xlane v8, v0  }
0x135: {  	v14 =	vadd.f32 v14, v43;
	v49 =	vperm.xlane v9, v1;
	v5 =	vadd.f32 v5, v46  }
0x136: {  	v7 =	vadd.f32 v7, v50;
	v51 =	vperm.xlane v11, v1;
	v8 =	vadd.f32 v8, v47  }
0x137: {  	v6 =	vsel vm7, v6, v42;
	v9 =	vadd.f32 v9, v49;
	v52 =	vperm.xlane v5, v1  }
0x138: {  	v48 =	vperm.xlane v45, v2;
	v11 =	vadd.f32 v11, v51;
	v53 =	vperm.xlane v8, v1  }
0x139: {  	v54 =	vperm.xlane v7, v3;
	v17 =	vperm.xlane v9, v2;
	v5 =	vadd.f32 v5, v52  }
0x13a: {  	v10 =	vadd.f32 v45, v48;
	v18 =	vperm.xlane v11, v2;
	v8 =	vadd.f32 v8, v53  }
0x13b: {  	v7 =	vadd.f32 v7, v54;
	v9 =	vadd.f32 v9, v17;
	v55 =	vperm.xlane v5, v2  }
0x13c: {  	v16 =	vperm.xlane v10, v3;
	v11 =	vadd.f32 v11, v18;
	v56 =	vperm.xlane v8, v2  }
0x13d: {  	v6 =	vsel vm8, v6, v7;
	v57 =	vperm.xlane v9, v3;
	v5 =	vadd.f32 v5, v55  }
0x13e: {  	v10 =	vadd.f32 v10, v16;
	v58 =	vperm.xlane v11, v3;
	v8 =	vadd.f32 v8, v56  }
0x13f: {  	s4 =	sshra.s32 s28, $0x2;
	v6 =	vsel vm9, v6, v14;
	v9 =	vadd.f32 v9, v57;
	v59 =	vperm.xlane v5, v3  }
0x140: {  	v61 =	vld [tilespmem:s4+$0x8400];
	v6 =	vsel vm10, v6, v10;
	v7 =	vadd.f32 v11, v58;
	v60 =	vperm.xlane v8, v3  }
0x141: {  	v6 =	vsel vm11, v6, v9;
	v5 =	vadd.f32 v5, v59  }
0x142: {  	v63 =	vld [tilespmem:s4+$0x8600];
	v6 =	vsel vm12, v6, v7;
	v62 =	vadd.f32 v8, v60  }
0x143: {  	v5 =	vsel vm13, v6, v5  }
0x144: {  	v5 =	vsel vm14, v5, v62  }
0x145: {  	v5 =	vadd.f32 v5, v61;
	_ =	sdelay $0x1  }
0x146: {  	v5 =	vadd.f32 v5, v63;
	_ =	sdelay $0x1  }
0x147: {  	s0 =	sadd.s32 $0x1, s0;
	v4 =	vadd.f32 v5, v4  }
0x148: {  	p0 =	sne.s32 s0, s17  }
.Ltmp1:
0x149: {  	s31 =	simm.s32 $0x8810;
	[tilespmem:s4+$0x8810] =	vst v4;
	(pc) =	sbr.rel @p0 .LBB2_1-.Ltmp1, $4  }
0x14a: {  	[hbm4b:s16+s2] =	stream.linear.scatter [tilespmem:s31], [sflag:$0x2], $0x200, $0x38;
	[tilespmem:$0x8A10] =	vst v63  }
0x14b: {  	_ =	swait.ge [sflag:s18], $0x200  }
0x14c: {  	[sflag:s18] =	ssyncset.done $0x0  }
0x14d: {  	[sflag:s18] =	ssyncadd.s32 $0xFFFFFE00  }
0x14e: {  	_ =	sfence.sel $0x180000  }
0x14f: {  	[bflag:$0x0] =	sbarrier.arrive $0xFFFF  }
0x150: {  	_ =	strace $0x90000047  }
0x151: {  	s0 =	stileid.u32;
	[bflag:$0x2] =	sbarrier.arrive $0xFFFF  }
0x152: {  	p0 =	sne.s32 s0, $0x0;
	s0 =	rddreg [dreg:$0x4]  }
0x153: {  	s0 =	sadd.s32 @!p0 $0x100000, s0  }
0x154: {  	[sflag:s0] =	ssyncadd.tile.s32 @!p0 $0x1;
	_ =	shalt  }
.Lfunc_end2:
_tile_overlayer_lowered:
.L_overlay_start_2:
0x155: {  	(tag) =	ssettag $0x2  }
0x156: {  	s0 =	rddreg [dreg:$0x0];
	s2 =	stileid.u32  }
0x157: {  	s1 =	rddreg [dreg:$0x1];
	p0 =	sne.s32 s2, $0x0  }
0x158: {  	s3 =	rddreg [dreg:$0x2];
	[bflag:$0x3] =	sbarrier.arrive $0xFFFF;
	s2 =	simm.s32 @!p0 $0x1C02  }
0x159: {  	[timem:s3], [sflag:s2] =	dma.local @!p0 [hbm:s0], s1  }
0x15a: {  	s0 =	simm.s32 @!p0 $0x2  }
0x15b: {  	_ =	swait.ge @!p0 [sflag:s0], s1  }
0x15c: {  	s1 =	ssub.s32 @!p0 $0x0, s1;
	[sflag:s0] =	ssyncset.done @!p0 $0x0  }
0x15d: {  	[sflag:s0] =	ssyncadd.s32 @!p0 s1  }
0x15e: {  	[bflag:$0x3] =	sbarrier.arrive $0xFFFF  }
0x15f: {  	_ =	shalt  }

</sc_bundles>
